<compile_context>
chip_gen: v7x
topology: tpu7x:2x2x1
jax: 0.10.2.dev20260603
libtpu: 0.0.44.dev20260713+nightly
codegen_flags: <defaults>
</compile_context>

<pallas_src>
import functools

import jax
import jax.numpy as jnp
from jax import lax
from jax.experimental import pallas as pl
from jax.experimental.pallas import tpu as pltpu
from jax.experimental.pallas import tpu_sc as plsc

VOCAB = 100000
EMBED_DIM = 128
BATCH = 4096
HIST_LEN = 50

_NC = 2
_NS = 16
_NW = _NC * _NS
_ROWS = BATCH * HIST_LEN
_COLS = 128
_CHUNK = 64
_NCH = HIST_LEN * (_COLS // _CHUNK)
_NBUF = 10
_NROUNDS = _NCH // _NBUF

_mesh = plsc.VectorSubcoreMesh(core_axis_name="c", subcore_axis_name="s")


@functools.partial(
    pl.kernel,
    mesh=_mesh,
    out_type=jax.ShapeDtypeStruct((_ROWS, EMBED_DIM), jnp.float32),
    scratch_types=[
        pltpu.VMEM((HIST_LEN, _COLS), jnp.int32),
        pltpu.VMEM((_NBUF, _CHUNK, EMBED_DIM), jnp.float32),
    ]
    + [pltpu.SemaphoreType.DMA] * (2 * _NBUF),
)
def _emb_lookup(idx_hbm, table_hbm, out_hbm, idx_v, rows_v, *sems):
    gsem = sems[:_NBUF]
    ssem = sems[_NBUF:]
    wid = lax.axis_index("s") * _NC + lax.axis_index("c")
    bbase = wid * _COLS
    pltpu.sync_copy(idx_hbm.at[:, pl.ds(bbase, _COLS)], idx_v)

    def gather(t, half, s):
        idx = idx_v.at[t, pl.ds(half * _CHUNK, _CHUNK)]
        pltpu.async_copy(table_hbm.at[idx], rows_v.at[s], gsem[s])

    def gather_wait(s):
        idx = idx_v.at[0, pl.ds(0, _CHUNK)]
        pltpu.make_async_copy(table_hbm.at[idx], rows_v.at[s], gsem[s]).wait()

    def store(t, half, s):
        dst = out_hbm.at[pl.ds(t * BATCH + bbase + half * _CHUNK, _CHUNK)]
        pltpu.async_copy(rows_v.at[s], dst, ssem[s])

    def store_wait(s):
        dst = out_hbm.at[pl.ds(bbase, _CHUNK)]
        pltpu.make_async_copy(rows_v.at[s], dst, ssem[s]).wait()

    for s in range(_NBUF):
        gather(s // 2, s % 2, s)

    def round_body(h, carry):
        c0 = _NBUF * h
        for s in range(_NBUF):
            gather_wait(s)
            store((c0 + s) // 2, s % 2, s)
        for s in range(_NBUF):
            store_wait(s)
            gather((c0 + s + _NBUF) // 2, s % 2, s)
        return carry

    lax.fori_loop(0, _NROUNDS - 1, round_body, 0)

    c0 = _NBUF * (_NROUNDS - 1)
    for s in range(_NBUF):
        gather_wait(s)
        store((c0 + s) // 2, s % 2, s)
    for s in range(_NBUF):
        store_wait(s)


def kernel(indices, embedding_matrix):
    out = _emb_lookup(indices.T.astype(jnp.int32), embedding_matrix)
    return out.reshape(HIST_LEN, BATCH, EMBED_DIM).transpose(1, 0, 2)

# --- scband reference (transcript-rebuilt; emitter-appended) ---
"""Pipeline reference for scband-pretrained-embedding-90563680404174 (READ-ONLY COPY).

The authoritative reference and input builder live on the scoring server;
editing this copy changes nothing except your own understanding.
"""

import jax, jax.numpy as jnp
import numpy as np

VOCAB = 100000
EMBED_DIM = 128
BATCH = 4096
HIST_LEN = 50

def setup_inputs(seed: int = 0) -> dict:
    key = jax.random.key(seed)
    k_idx, k_tab = jax.random.split(key)
    indices = jax.random.randint(k_idx, (BATCH, HIST_LEN), 0, VOCAB, dtype=jnp.int64 if jax.config.jax_enable_x64 else jnp.int32)
    embedding_matrix = jax.random.normal(k_tab, (VOCAB, EMBED_DIM), dtype=jnp.float32)
    return {"indices": indices, "embedding_matrix": embedding_matrix}

def reference(indices, embedding_matrix):
    # PretrainedEmbedding.forward: frozen embedding lookup
    return jnp.take(embedding_matrix, indices, axis=0)

if __name__ == "__main__":
    import jax
    _d = setup_inputs()
    print(jax.jit(kernel)(*tuple(_d.values())))

</pallas_src>

<mosaic_0001>
#map = affine_map<(d0, d1) -> (0, 0)>
module attributes {stable_mosaic.version = 14 : i64} {
  func.func @_emb_lookup(%arg0: i32, %arg1: i32, %arg2: memref<50x4096xi32, #tpu.memory_space<hbm>>, %arg3: memref<100000x128xf32, #tpu.memory_space<hbm>>, %arg4: memref<204800x128xf32, #tpu.memory_space<hbm>>, %arg5: memref<50x128xi32, #tpu.memory_space<vmem>>, %arg6: memref<10x64x128xf32, #tpu.memory_space<vmem>>, %arg7: memref<!tpu.dma_semaphore, #tpu.memory_space<semaphore_mem>>, %arg8: memref<!tpu.dma_semaphore, #tpu.memory_space<semaphore_mem>>, %arg9: memref<!tpu.dma_semaphore, #tpu.memory_space<semaphore_mem>>, %arg10: memref<!tpu.dma_semaphore, #tpu.memory_space<semaphore_mem>>, %arg11: memref<!tpu.dma_semaphore, #tpu.memory_space<semaphore_mem>>, %arg12: memref<!tpu.dma_semaphore, #tpu.memory_space<semaphore_mem>>, %arg13: memref<!tpu.dma_semaphore, #tpu.memory_space<semaphore_mem>>, %arg14: memref<!tpu.dma_semaphore, #tpu.memory_space<semaphore_mem>>, %arg15: memref<!tpu.dma_semaphore, #tpu.memory_space<semaphore_mem>>, %arg16: memref<!tpu.dma_semaphore, #tpu.memory_space<semaphore_mem>>, %arg17: memref<!tpu.dma_semaphore, #tpu.memory_space<semaphore_mem>>, %arg18: memref<!tpu.dma_semaphore, #tpu.memory_space<semaphore_mem>>, %arg19: memref<!tpu.dma_semaphore, #tpu.memory_space<semaphore_mem>>, %arg20: memref<!tpu.dma_semaphore, #tpu.memory_space<semaphore_mem>>, %arg21: memref<!tpu.dma_semaphore, #tpu.memory_space<semaphore_mem>>, %arg22: memref<!tpu.dma_semaphore, #tpu.memory_space<semaphore_mem>>, %arg23: memref<!tpu.dma_semaphore, #tpu.memory_space<semaphore_mem>>, %arg24: memref<!tpu.dma_semaphore, #tpu.memory_space<semaphore_mem>>, %arg25: memref<!tpu.dma_semaphore, #tpu.memory_space<semaphore_mem>>, %arg26: memref<!tpu.dma_semaphore, #tpu.memory_space<semaphore_mem>>) attributes {dimension_semantics = [#tpu.dimension_semantics<core_parallel>, #tpu.dimension_semantics<subcore_parallel>], iteration_bounds = array<i64: 2, 16>, scalar_prefetch = 0 : i64, scratch_operands = 22 : i64, tpu.core_type = #tpu.core_type<sc_vector_subcore>, window_params = [{transform_indices = #map}, {transform_indices = #map}, {transform_indices = #map}]} {
    %mul3A = arith.constant 2 : i32
    %mul3A_0 = arith.muli %arg1, %mul3A : i32
    %add3A = arith.addi %mul3A_0, %arg0 : i32
    %mul3A_1 = arith.constant 128 : i32
    %mul3A_2 = arith.muli %add3A, %mul3A_1 : i32
    "tpu.region"() ({
      %run_scoped3A = tpu.sem_alloc : memref<!tpu.dma_semaphore, #tpu.memory_space<semaphore_mem>>
      %dma_start3A_546 = arith.constant 0 : i32
      %dma_start3A_547 = tpu.memref_slice %arg2[%dma_start3A_546, %mul3A_2] : memref<50x4096xi32, #tpu.memory_space<hbm>> -> memref<50x128xi32, #tpu.memory_space<hbm>>
      %dma_start3A_548 = arith.constant 0 : i32
      %dma_start3A_549 = tpu.memref_slice %arg2[%dma_start3A_548, %mul3A_2] : memref<50x4096xi32, #tpu.memory_space<hbm>> -> memref<50x128xi32, #tpu.memory_space<hbm>>
      tpu.enqueue_dma source(%dma_start3A_549 : memref<50x128xi32, #tpu.memory_space<hbm>>) target(%arg5 : memref<50x128xi32, #tpu.memory_space<vmem>>) target_semaphore(%run_scoped3A : memref<!tpu.dma_semaphore, #tpu.memory_space<semaphore_mem>>)
      %dma_wait3A_550 = arith.constant 0 : i32
      %dma_wait3A_551 = tpu.memref_slice %arg2[%dma_wait3A_550, %mul3A_2] : memref<50x4096xi32, #tpu.memory_space<hbm>> -> memref<50x128xi32, #tpu.memory_space<hbm>>
      %dma_wait3A_552 = arith.constant 0 : i32
      %dma_wait3A_553 = tpu.memref_slice %arg2[%dma_wait3A_552, %mul3A_2] : memref<50x4096xi32, #tpu.memory_space<hbm>> -> memref<50x128xi32, #tpu.memory_space<hbm>>
      tpu.wait_dma2 semaphore(%run_scoped3A : memref<!tpu.dma_semaphore, #tpu.memory_space<semaphore_mem>>) src(%dma_wait3A_553 : memref<50x128xi32, #tpu.memory_space<hbm>>) dst(%arg5 : memref<50x128xi32, #tpu.memory_space<vmem>>)
      tpu.yield
    }) : () -> ()
    %dma_start3A = arith.constant 0 : i32
    %dma_start3A_3 = arith.constant 0 : i32
    %dma_start3A_4 = arith.constant 0 : i32
    %dma_start3A_5 = arith.constant 0 : i32
    %dma_start3A_6 = tpu.memref_slice %arg6[%dma_start3A_3, %dma_start3A_4, %dma_start3A_5] : memref<10x64x128xf32, #tpu.memory_space<vmem>> -> memref<1x64x128xf32, #tpu.memory_space<vmem>>
    %dma_start3A_7 = tpu.memref_squeeze %dma_start3A_6 : memref<1x64x128xf32, #tpu.memory_space<vmem>> -> memref<64x128xf32, #tpu.memory_space<vmem>>
    %dma_start3A_8 = arith.constant 0 : i32
    %dma_start3A_9 = tpu.memref_slice %arg5[%dma_start3A, %dma_start3A_8] : memref<50x128xi32, #tpu.memory_space<vmem>> -> memref<1x64xi32, #tpu.memory_space<vmem>>
    %dma_start3A_10 = tpu.memref_squeeze %dma_start3A_9 : memref<1x64xi32, #tpu.memory_space<vmem>> -> memref<64xi32, #tpu.memory_space<vmem>>
    %dma_start3A_11 = arith.constant 0 : i32
    %dma_start3A_12 = arith.constant 0 : i32
    %dma_start3A_13 = tpu.memref_slice %arg3[%dma_start3A_11, %dma_start3A_12] : memref<100000x128xf32, #tpu.memory_space<hbm>> -> memref<100000x128xf32, #tpu.memory_space<hbm>>
    tpu.enqueue_indirect_dma source(%dma_start3A_13 : memref<100000x128xf32, #tpu.memory_space<hbm>>) target(%dma_start3A_7 : memref<64x128xf32, #tpu.memory_space<vmem>>) offsets(%dma_start3A_10 : memref<64xi32, #tpu.memory_space<vmem>>) semaphore(%arg7 : memref<!tpu.dma_semaphore, #tpu.memory_space<semaphore_mem>>)
    %dma_start3A_14 = arith.constant 0 : i32
    %dma_start3A_15 = arith.constant 1 : i32
    %dma_start3A_16 = arith.constant 0 : i32
    %dma_start3A_17 = arith.constant 0 : i32
    %dma_start3A_18 = tpu.memref_slice %arg6[%dma_start3A_15, %dma_start3A_16, %dma_start3A_17] : memref<10x64x128xf32, #tpu.memory_space<vmem>> -> memref<1x64x128xf32, #tpu.memory_space<vmem>>
    %dma_start3A_19 = tpu.memref_squeeze %dma_start3A_18 : memref<1x64x128xf32, #tpu.memory_space<vmem>> -> memref<64x128xf32, #tpu.memory_space<vmem>>
    %dma_start3A_20 = arith.constant 64 : i32
    %dma_start3A_21 = tpu.memref_slice %arg5[%dma_start3A_14, %dma_start3A_20] : memref<50x128xi32, #tpu.memory_space<vmem>> -> memref<1x64xi32, #tpu.memory_space<vmem>>
    %dma_start3A_22 = tpu.memref_squeeze %dma_start3A_21 : memref<1x64xi32, #tpu.memory_space<vmem>> -> memref<64xi32, #tpu.memory_space<vmem>>
    %dma_start3A_23 = arith.constant 0 : i32
    %dma_start3A_24 = arith.constant 0 : i32
    %dma_start3A_25 = tpu.memref_slice %arg3[%dma_start3A_23, %dma_start3A_24] : memref<100000x128xf32, #tpu.memory_space<hbm>> -> memref<100000x128xf32, #tpu.memory_space<hbm>>
    tpu.enqueue_indirect_dma source(%dma_start3A_25 : memref<100000x128xf32, #tpu.memory_space<hbm>>) target(%dma_start3A_19 : memref<64x128xf32, #tpu.memory_space<vmem>>) offsets(%dma_start3A_22 : memref<64xi32, #tpu.memory_space<vmem>>) semaphore(%arg8 : memref<!tpu.dma_semaphore, #tpu.memory_space<semaphore_mem>>)
    %dma_start3A_26 = arith.constant 1 : i32
    %dma_start3A_27 = arith.constant 2 : i32
    %dma_start3A_28 = arith.constant 0 : i32
    %dma_start3A_29 = arith.constant 0 : i32
    %dma_start3A_30 = tpu.memref_slice %arg6[%dma_start3A_27, %dma_start3A_28, %dma_start3A_29] : memref<10x64x128xf32, #tpu.memory_space<vmem>> -> memref<1x64x128xf32, #tpu.memory_space<vmem>>
    %dma_start3A_31 = tpu.memref_squeeze %dma_start3A_30 : memref<1x64x128xf32, #tpu.memory_space<vmem>> -> memref<64x128xf32, #tpu.memory_space<vmem>>
    %dma_start3A_32 = arith.constant 0 : i32
    %dma_start3A_33 = tpu.memref_slice %arg5[%dma_start3A_26, %dma_start3A_32] : memref<50x128xi32, #tpu.memory_space<vmem>> -> memref<1x64xi32, #tpu.memory_space<vmem>>
    %dma_start3A_34 = tpu.memref_squeeze %dma_start3A_33 : memref<1x64xi32, #tpu.memory_space<vmem>> -> memref<64xi32, #tpu.memory_space<vmem>>
    %dma_start3A_35 = arith.constant 0 : i32
    %dma_start3A_36 = arith.constant 0 : i32
    %dma_start3A_37 = tpu.memref_slice %arg3[%dma_start3A_35, %dma_start3A_36] : memref<100000x128xf32, #tpu.memory_space<hbm>> -> memref<100000x128xf32, #tpu.memory_space<hbm>>
    tpu.enqueue_indirect_dma source(%dma_start3A_37 : memref<100000x128xf32, #tpu.memory_space<hbm>>) target(%dma_start3A_31 : memref<64x128xf32, #tpu.memory_space<vmem>>) offsets(%dma_start3A_34 : memref<64xi32, #tpu.memory_space<vmem>>) semaphore(%arg9 : memref<!tpu.dma_semaphore, #tpu.memory_space<semaphore_mem>>)
    %dma_start3A_38 = arith.constant 1 : i32
    %dma_start3A_39 = arith.constant 3 : i32
    %dma_start3A_40 = arith.constant 0 : i32
    %dma_start3A_41 = arith.constant 0 : i32
    %dma_start3A_42 = tpu.memref_slice %arg6[%dma_start3A_39, %dma_start3A_40, %dma_start3A_41] : memref<10x64x128xf32, #tpu.memory_space<vmem>> -> memref<1x64x128xf32, #tpu.memory_space<vmem>>
    %dma_start3A_43 = tpu.memref_squeeze %dma_start3A_42 : memref<1x64x128xf32, #tpu.memory_space<vmem>> -> memref<64x128xf32, #tpu.memory_space<vmem>>
    %dma_start3A_44 = arith.constant 64 : i32
    %dma_start3A_45 = tpu.memref_slice %arg5[%dma_start3A_38, %dma_start3A_44] : memref<50x128xi32, #tpu.memory_space<vmem>> -> memref<1x64xi32, #tpu.memory_space<vmem>>
    %dma_start3A_46 = tpu.memref_squeeze %dma_start3A_45 : memref<1x64xi32, #tpu.memory_space<vmem>> -> memref<64xi32, #tpu.memory_space<vmem>>
    %dma_start3A_47 = arith.constant 0 : i32
    %dma_start3A_48 = arith.constant 0 : i32
    %dma_start3A_49 = tpu.memref_slice %arg3[%dma_start3A_47, %dma_start3A_48] : memref<100000x128xf32, #tpu.memory_space<hbm>> -> memref<100000x128xf32, #tpu.memory_space<hbm>>
    tpu.enqueue_indirect_dma source(%dma_start3A_49 : memref<100000x128xf32, #tpu.memory_space<hbm>>) target(%dma_start3A_43 : memref<64x128xf32, #tpu.memory_space<vmem>>) offsets(%dma_start3A_46 : memref<64xi32, #tpu.memory_space<vmem>>) semaphore(%arg10 : memref<!tpu.dma_semaphore, #tpu.memory_space<semaphore_mem>>)
    %dma_start3A_50 = arith.constant 2 : i32
    %dma_start3A_51 = arith.constant 4 : i32
    %dma_start3A_52 = arith.constant 0 : i32
    %dma_start3A_53 = arith.constant 0 : i32
    %dma_start3A_54 = tpu.memref_slice %arg6[%dma_start3A_51, %dma_start3A_52, %dma_start3A_53] : memref<10x64x128xf32, #tpu.memory_space<vmem>> -> memref<1x64x128xf32, #tpu.memory_space<vmem>>
    %dma_start3A_55 = tpu.memref_squeeze %dma_start3A_54 : memref<1x64x128xf32, #tpu.memory_space<vmem>> -> memref<64x128xf32, #tpu.memory_space<vmem>>
    %dma_start3A_56 = arith.constant 0 : i32
    %dma_start3A_57 = tpu.memref_slice %arg5[%dma_start3A_50, %dma_start3A_56] : memref<50x128xi32, #tpu.memory_space<vmem>> -> memref<1x64xi32, #tpu.memory_space<vmem>>
    %dma_start3A_58 = tpu.memref_squeeze %dma_start3A_57 : memref<1x64xi32, #tpu.memory_space<vmem>> -> memref<64xi32, #tpu.memory_space<vmem>>
    %dma_start3A_59 = arith.constant 0 : i32
    %dma_start3A_60 = arith.constant 0 : i32
    %dma_start3A_61 = tpu.memref_slice %arg3[%dma_start3A_59, %dma_start3A_60] : memref<100000x128xf32, #tpu.memory_space<hbm>> -> memref<100000x128xf32, #tpu.memory_space<hbm>>
    tpu.enqueue_indirect_dma source(%dma_start3A_61 : memref<100000x128xf32, #tpu.memory_space<hbm>>) target(%dma_start3A_55 : memref<64x128xf32, #tpu.memory_space<vmem>>) offsets(%dma_start3A_58 : memref<64xi32, #tpu.memory_space<vmem>>) semaphore(%arg11 : memref<!tpu.dma_semaphore, #tpu.memory_space<semaphore_mem>>)
    %dma_start3A_62 = arith.constant 2 : i32
    %dma_start3A_63 = arith.constant 5 : i32
    %dma_start3A_64 = arith.constant 0 : i32
    %dma_start3A_65 = arith.constant 0 : i32
    %dma_start3A_66 = tpu.memref_slice %arg6[%dma_start3A_63, %dma_start3A_64, %dma_start3A_65] : memref<10x64x128xf32, #tpu.memory_space<vmem>> -> memref<1x64x128xf32, #tpu.memory_space<vmem>>
    %dma_start3A_67 = tpu.memref_squeeze %dma_start3A_66 : memref<1x64x128xf32, #tpu.memory_space<vmem>> -> memref<64x128xf32, #tpu.memory_space<vmem>>
    %dma_start3A_68 = arith.constant 64 : i32
    %dma_start3A_69 = tpu.memref_slice %arg5[%dma_start3A_62, %dma_start3A_68] : memref<50x128xi32, #tpu.memory_space<vmem>> -> memref<1x64xi32, #tpu.memory_space<vmem>>
    %dma_start3A_70 = tpu.memref_squeeze %dma_start3A_69 : memref<1x64xi32, #tpu.memory_space<vmem>> -> memref<64xi32, #tpu.memory_space<vmem>>
    %dma_start3A_71 = arith.constant 0 : i32
    %dma_start3A_72 = arith.constant 0 : i32
    %dma_start3A_73 = tpu.memref_slice %arg3[%dma_start3A_71, %dma_start3A_72] : memref<100000x128xf32, #tpu.memory_space<hbm>> -> memref<100000x128xf32, #tpu.memory_space<hbm>>
    tpu.enqueue_indirect_dma source(%dma_start3A_73 : memref<100000x128xf32, #tpu.memory_space<hbm>>) target(%dma_start3A_67 : memref<64x128xf32, #tpu.memory_space<vmem>>) offsets(%dma_start3A_70 : memref<64xi32, #tpu.memory_space<vmem>>) semaphore(%arg12 : memref<!tpu.dma_semaphore, #tpu.memory_space<semaphore_mem>>)
    %dma_start3A_74 = arith.constant 3 : i32
    %dma_start3A_75 = arith.constant 6 : i32
    %dma_start3A_76 = arith.constant 0 : i32
    %dma_start3A_77 = arith.constant 0 : i32
    %dma_start3A_78 = tpu.memref_slice %arg6[%dma_start3A_75, %dma_start3A_76, %dma_start3A_77] : memref<10x64x128xf32, #tpu.memory_space<vmem>> -> memref<1x64x128xf32, #tpu.memory_space<vmem>>
    %dma_start3A_79 = tpu.memref_squeeze %dma_start3A_78 : memref<1x64x128xf32, #tpu.memory_space<vmem>> -> memref<64x128xf32, #tpu.memory_space<vmem>>
    %dma_start3A_80 = arith.constant 0 : i32
    %dma_start3A_81 = tpu.memref_slice %arg5[%dma_start3A_74, %dma_start3A_80] : memref<50x128xi32, #tpu.memory_space<vmem>> -> memref<1x64xi32, #tpu.memory_space<vmem>>
    %dma_start3A_82 = tpu.memref_squeeze %dma_start3A_81 : memref<1x64xi32, #tpu.memory_space<vmem>> -> memref<64xi32, #tpu.memory_space<vmem>>
    %dma_start3A_83 = arith.constant 0 : i32
    %dma_start3A_84 = arith.constant 0 : i32
    %dma_start3A_85 = tpu.memref_slice %arg3[%dma_start3A_83, %dma_start3A_84] : memref<100000x128xf32, #tpu.memory_space<hbm>> -> memref<100000x128xf32, #tpu.memory_space<hbm>>
    tpu.enqueue_indirect_dma source(%dma_start3A_85 : memref<100000x128xf32, #tpu.memory_space<hbm>>) target(%dma_start3A_79 : memref<64x128xf32, #tpu.memory_space<vmem>>) offsets(%dma_start3A_82 : memref<64xi32, #tpu.memory_space<vmem>>) semaphore(%arg13 : memref<!tpu.dma_semaphore, #tpu.memory_space<semaphore_mem>>)
    %dma_start3A_86 = arith.constant 3 : i32
    %dma_start3A_87 = arith.constant 7 : i32
    %dma_start3A_88 = arith.constant 0 : i32
    %dma_start3A_89 = arith.constant 0 : i32
    %dma_start3A_90 = tpu.memref_slice %arg6[%dma_start3A_87, %dma_start3A_88, %dma_start3A_89] : memref<10x64x128xf32, #tpu.memory_space<vmem>> -> memref<1x64x128xf32, #tpu.memory_space<vmem>>
    %dma_start3A_91 = tpu.memref_squeeze %dma_start3A_90 : memref<1x64x128xf32, #tpu.memory_space<vmem>> -> memref<64x128xf32, #tpu.memory_space<vmem>>
    %dma_start3A_92 = arith.constant 64 : i32
    %dma_start3A_93 = tpu.memref_slice %arg5[%dma_start3A_86, %dma_start3A_92] : memref<50x128xi32, #tpu.memory_space<vmem>> -> memref<1x64xi32, #tpu.memory_space<vmem>>
    %dma_start3A_94 = tpu.memref_squeeze %dma_start3A_93 : memref<1x64xi32, #tpu.memory_space<vmem>> -> memref<64xi32, #tpu.memory_space<vmem>>
    %dma_start3A_95 = arith.constant 0 : i32
    %dma_start3A_96 = arith.constant 0 : i32
    %dma_start3A_97 = tpu.memref_slice %arg3[%dma_start3A_95, %dma_start3A_96] : memref<100000x128xf32, #tpu.memory_space<hbm>> -> memref<100000x128xf32, #tpu.memory_space<hbm>>
    tpu.enqueue_indirect_dma source(%dma_start3A_97 : memref<100000x128xf32, #tpu.memory_space<hbm>>) target(%dma_start3A_91 : memref<64x128xf32, #tpu.memory_space<vmem>>) offsets(%dma_start3A_94 : memref<64xi32, #tpu.memory_space<vmem>>) semaphore(%arg14 : memref<!tpu.dma_semaphore, #tpu.memory_space<semaphore_mem>>)
    %dma_start3A_98 = arith.constant 4 : i32
    %dma_start3A_99 = arith.constant 8 : i32
    %dma_start3A_100 = arith.constant 0 : i32
    %dma_start3A_101 = arith.constant 0 : i32
    %dma_start3A_102 = tpu.memref_slice %arg6[%dma_start3A_99, %dma_start3A_100, %dma_start3A_101] : memref<10x64x128xf32, #tpu.memory_space<vmem>> -> memref<1x64x128xf32, #tpu.memory_space<vmem>>
    %dma_start3A_103 = tpu.memref_squeeze %dma_start3A_102 : memref<1x64x128xf32, #tpu.memory_space<vmem>> -> memref<64x128xf32, #tpu.memory_space<vmem>>
    %dma_start3A_104 = arith.constant 0 : i32
    %dma_start3A_105 = tpu.memref_slice %arg5[%dma_start3A_98, %dma_start3A_104] : memref<50x128xi32, #tpu.memory_space<vmem>> -> memref<1x64xi32, #tpu.memory_space<vmem>>
    %dma_start3A_106 = tpu.memref_squeeze %dma_start3A_105 : memref<1x64xi32, #tpu.memory_space<vmem>> -> memref<64xi32, #tpu.memory_space<vmem>>
    %dma_start3A_107 = arith.constant 0 : i32
    %dma_start3A_108 = arith.constant 0 : i32
    %dma_start3A_109 = tpu.memref_slice %arg3[%dma_start3A_107, %dma_start3A_108] : memref<100000x128xf32, #tpu.memory_space<hbm>> -> memref<100000x128xf32, #tpu.memory_space<hbm>>
    tpu.enqueue_indirect_dma source(%dma_start3A_109 : memref<100000x128xf32, #tpu.memory_space<hbm>>) target(%dma_start3A_103 : memref<64x128xf32, #tpu.memory_space<vmem>>) offsets(%dma_start3A_106 : memref<64xi32, #tpu.memory_space<vmem>>) semaphore(%arg15 : memref<!tpu.dma_semaphore, #tpu.memory_space<semaphore_mem>>)
    %dma_start3A_110 = arith.constant 4 : i32
    %dma_start3A_111 = arith.constant 9 : i32
    %dma_start3A_112 = arith.constant 0 : i32
    %dma_start3A_113 = arith.constant 0 : i32
    %dma_start3A_114 = tpu.memref_slice %arg6[%dma_start3A_111, %dma_start3A_112, %dma_start3A_113] : memref<10x64x128xf32, #tpu.memory_space<vmem>> -> memref<1x64x128xf32, #tpu.memory_space<vmem>>
    %dma_start3A_115 = tpu.memref_squeeze %dma_start3A_114 : memref<1x64x128xf32, #tpu.memory_space<vmem>> -> memref<64x128xf32, #tpu.memory_space<vmem>>
    %dma_start3A_116 = arith.constant 64 : i32
    %dma_start3A_117 = tpu.memref_slice %arg5[%dma_start3A_110, %dma_start3A_116] : memref<50x128xi32, #tpu.memory_space<vmem>> -> memref<1x64xi32, #tpu.memory_space<vmem>>
    %dma_start3A_118 = tpu.memref_squeeze %dma_start3A_117 : memref<1x64xi32, #tpu.memory_space<vmem>> -> memref<64xi32, #tpu.memory_space<vmem>>
    %dma_start3A_119 = arith.constant 0 : i32
    %dma_start3A_120 = arith.constant 0 : i32
    %dma_start3A_121 = tpu.memref_slice %arg3[%dma_start3A_119, %dma_start3A_120] : memref<100000x128xf32, #tpu.memory_space<hbm>> -> memref<100000x128xf32, #tpu.memory_space<hbm>>
    tpu.enqueue_indirect_dma source(%dma_start3A_121 : memref<100000x128xf32, #tpu.memory_space<hbm>>) target(%dma_start3A_115 : memref<64x128xf32, #tpu.memory_space<vmem>>) offsets(%dma_start3A_118 : memref<64xi32, #tpu.memory_space<vmem>>) semaphore(%arg16 : memref<!tpu.dma_semaphore, #tpu.memory_space<semaphore_mem>>)
    %scan3A = arith.constant 0 : i32
    %scan3A_122 = arith.constant 0 : i32
    %scan3A_123 = arith.constant 9 : i32
    %scan3A_124 = arith.addi %scan3A_122, %scan3A_123 : i32
    %scan3A_125 = arith.constant 1 : i32
    scf.for %scan3A_546 = %scan3A_122 to %scan3A_124 step %scan3A_125  : i32 {
      %mul3A_547 = arith.constant 10 : i32
      %mul3A_548 = arith.muli %mul3A_547, %scan3A_546 : i32
      %dma_wait3A_549 = arith.constant 0 : i32
      %dma_wait3A_550 = arith.constant 0 : i32
      %dma_wait3A_551 = arith.constant 0 : i32
      %dma_wait3A_552 = arith.constant 0 : i32
      %dma_wait3A_553 = tpu.memref_slice %arg6[%dma_wait3A_550, %dma_wait3A_551, %dma_wait3A_552] : memref<10x64x128xf32, #tpu.memory_space<vmem>> -> memref<1x64x128xf32, #tpu.memory_space<vmem>>
      %dma_wait3A_554 = tpu.memref_squeeze %dma_wait3A_553 : memref<1x64x128xf32, #tpu.memory_space<vmem>> -> memref<64x128xf32, #tpu.memory_space<vmem>>
      %dma_wait3A_555 = arith.constant 0 : i32
      %dma_wait3A_556 = tpu.memref_slice %arg5[%dma_wait3A_549, %dma_wait3A_555] : memref<50x128xi32, #tpu.memory_space<vmem>> -> memref<1x64xi32, #tpu.memory_space<vmem>>
      %dma_wait3A_557 = tpu.memref_squeeze %dma_wait3A_556 : memref<1x64xi32, #tpu.memory_space<vmem>> -> memref<64xi32, #tpu.memory_space<vmem>>
      %dma_wait3A_558 = arith.constant 0 : i32
      %dma_wait3A_559 = arith.constant 0 : i32
      %dma_wait3A_560 = tpu.memref_slice %arg3[%dma_wait3A_558, %dma_wait3A_559] : memref<100000x128xf32, #tpu.memory_space<hbm>> -> memref<100000x128xf32, #tpu.memory_space<hbm>>
      tpu.wait_indirect_dma semaphore(%arg7 : memref<!tpu.dma_semaphore, #tpu.memory_space<semaphore_mem>>) src(%dma_wait3A_560 : memref<100000x128xf32, #tpu.memory_space<hbm>>) dst(%dma_wait3A_554 : memref<64x128xf32, #tpu.memory_space<vmem>>)
      %add3A_561 = arith.constant 0 : i32
      %add3A_562 = arith.addi %mul3A_548, %add3A_561 : i32
      %jit3A = arith.constant 2 : i32
      %div3A = arith.divsi %add3A_562, %jit3A : i32
      %sign3A = arith.constant 0 : i32
      %sign3A_563 = arith.cmpi sgt, %add3A_562, %sign3A : i32
      %sign3A_564 = arith.extui %sign3A_563 : i1 to i32
      %sign3A_565 = arith.constant 0 : i32
      %sign3A_566 = arith.cmpi slt, %add3A_562, %sign3A_565 : i32
      %sign3A_567 = arith.extui %sign3A_566 : i1 to i32
      %sign3A_568 = arith.subi %sign3A_564, %sign3A_567 : i32
      %sign3A_569 = arith.constant 0 : i32
      %sign3A_570 = arith.cmpi sgt, %jit3A, %sign3A_569 : i32
      %sign3A_571 = arith.extui %sign3A_570 : i1 to i32
      %sign3A_572 = arith.constant 0 : i32
      %sign3A_573 = arith.cmpi slt, %jit3A, %sign3A_572 : i32
      %sign3A_574 = arith.extui %sign3A_573 : i1 to i32
      %sign3A_575 = arith.subi %sign3A_571, %sign3A_574 : i32
      %ne3A = arith.cmpi ne, %sign3A_568, %sign3A_575 : i32
      %rem3A = arith.remsi %add3A_562, %jit3A : i32
      %ne3A_576 = arith.constant 0 : i32
      %ne3A_577 = arith.cmpi ne, %rem3A, %ne3A_576 : i32
      %and3A = arith.andi %ne3A, %ne3A_577 : i1
      %sub3A = arith.constant 1 : i32
      %sub3A_578 = arith.subi %div3A, %sub3A : i32
      %select_n3A = arith.select %and3A, %sub3A_578, %div3A : i32
      %mul3A_579 = arith.constant 4096 : i32
      %mul3A_580 = arith.muli %select_n3A, %mul3A_579 : i32
      %add3A_581 = arith.addi %mul3A_580, %mul3A_2 : i32
      %add3A_582 = arith.constant 0 : i32
      %add3A_583 = arith.addi %add3A_581, %add3A_582 : i32
      %dma_start3A_584 = arith.constant 0 : i32
      %dma_start3A_585 = arith.constant 0 : i32
      %dma_start3A_586 = arith.constant 0 : i32
      %dma_start3A_587 = tpu.memref_slice %arg6[%dma_start3A_584, %dma_start3A_585, %dma_start3A_586] : memref<10x64x128xf32, #tpu.memory_space<vmem>> -> memref<1x64x128xf32, #tpu.memory_space<vmem>>
      %dma_start3A_588 = tpu.memref_squeeze %dma_start3A_587 : memref<1x64x128xf32, #tpu.memory_space<vmem>> -> memref<64x128xf32, #tpu.memory_space<vmem>>
      %dma_start3A_589 = arith.constant 0 : i32
      %dma_start3A_590 = tpu.memref_slice %arg4[%add3A_583, %dma_start3A_589] : memref<204800x128xf32, #tpu.memory_space<hbm>> -> memref<64x128xf32, #tpu.memory_space<hbm>>
      %dma_start3A_591 = arith.constant 0 : i32
      %dma_start3A_592 = tpu.memref_slice %arg4[%add3A_583, %dma_start3A_591] : memref<204800x128xf32, #tpu.memory_space<hbm>> -> memref<64x128xf32, #tpu.memory_space<hbm>>
      %dma_start3A_593 = arith.constant 0 : i32
      %dma_start3A_594 = arith.constant 0 : i32
      %dma_start3A_595 = tpu.memref_slice %arg6[%dma_start3A_584, %dma_start3A_593, %dma_start3A_594] : memref<10x64x128xf32, #tpu.memory_space<vmem>> -> memref<1x64x128xf32, #tpu.memory_space<vmem>>
      %dma_start3A_596 = tpu.memref_squeeze %dma_start3A_595 : memref<1x64x128xf32, #tpu.memory_space<vmem>> -> memref<64x128xf32, #tpu.memory_space<vmem>>
      tpu.enqueue_dma source(%dma_start3A_596 : memref<64x128xf32, #tpu.memory_space<vmem>>) target(%dma_start3A_592 : memref<64x128xf32, #tpu.memory_space<hbm>>) target_semaphore(%arg17 : memref<!tpu.dma_semaphore, #tpu.memory_space<semaphore_mem>>)
      %dma_wait3A_597 = arith.constant 0 : i32
      %dma_wait3A_598 = arith.constant 1 : i32
      %dma_wait3A_599 = arith.constant 0 : i32
      %dma_wait3A_600 = arith.constant 0 : i32
      %dma_wait3A_601 = tpu.memref_slice %arg6[%dma_wait3A_598, %dma_wait3A_599, %dma_wait3A_600] : memref<10x64x128xf32, #tpu.memory_space<vmem>> -> memref<1x64x128xf32, #tpu.memory_space<vmem>>
      %dma_wait3A_602 = tpu.memref_squeeze %dma_wait3A_601 : memref<1x64x128xf32, #tpu.memory_space<vmem>> -> memref<64x128xf32, #tpu.memory_space<vmem>>
      %dma_wait3A_603 = arith.constant 0 : i32
      %dma_wait3A_604 = tpu.memref_slice %arg5[%dma_wait3A_597, %dma_wait3A_603] : memref<50x128xi32, #tpu.memory_space<vmem>> -> memref<1x64xi32, #tpu.memory_space<vmem>>
      %dma_wait3A_605 = tpu.memref_squeeze %dma_wait3A_604 : memref<1x64xi32, #tpu.memory_space<vmem>> -> memref<64xi32, #tpu.memory_space<vmem>>
      %dma_wait3A_606 = arith.constant 0 : i32
      %dma_wait3A_607 = arith.constant 0 : i32
      %dma_wait3A_608 = tpu.memref_slice %arg3[%dma_wait3A_606, %dma_wait3A_607] : memref<100000x128xf32, #tpu.memory_space<hbm>> -> memref<100000x128xf32, #tpu.memory_space<hbm>>
      tpu.wait_indirect_dma semaphore(%arg8 : memref<!tpu.dma_semaphore, #tpu.memory_space<semaphore_mem>>) src(%dma_wait3A_608 : memref<100000x128xf32, #tpu.memory_space<hbm>>) dst(%dma_wait3A_602 : memref<64x128xf32, #tpu.memory_space<vmem>>)
      %add3A_609 = arith.constant 1 : i32
      %add3A_610 = arith.addi %mul3A_548, %add3A_609 : i32
      %jit3A_611 = arith.constant 2 : i32
      %div3A_612 = arith.divsi %add3A_610, %jit3A_611 : i32
      %sign3A_613 = arith.constant 0 : i32
      %sign3A_614 = arith.cmpi sgt, %add3A_610, %sign3A_613 : i32
      %sign3A_615 = arith.extui %sign3A_614 : i1 to i32
      %sign3A_616 = arith.constant 0 : i32
      %sign3A_617 = arith.cmpi slt, %add3A_610, %sign3A_616 : i32
      %sign3A_618 = arith.extui %sign3A_617 : i1 to i32
      %sign3A_619 = arith.subi %sign3A_615, %sign3A_618 : i32
      %sign3A_620 = arith.constant 0 : i32
      %sign3A_621 = arith.cmpi sgt, %jit3A_611, %sign3A_620 : i32
      %sign3A_622 = arith.extui %sign3A_621 : i1 to i32
      %sign3A_623 = arith.constant 0 : i32
      %sign3A_624 = arith.cmpi slt, %jit3A_611, %sign3A_623 : i32
      %sign3A_625 = arith.extui %sign3A_624 : i1 to i32
      %sign3A_626 = arith.subi %sign3A_622, %sign3A_625 : i32
      %ne3A_627 = arith.cmpi ne, %sign3A_619, %sign3A_626 : i32
      %rem3A_628 = arith.remsi %add3A_610, %jit3A_611 : i32
      %ne3A_629 = arith.constant 0 : i32
      %ne3A_630 = arith.cmpi ne, %rem3A_628, %ne3A_629 : i32
      %and3A_631 = arith.andi %ne3A_627, %ne3A_630 : i1
      %sub3A_632 = arith.constant 1 : i32
      %sub3A_633 = arith.subi %div3A_612, %sub3A_632 : i32
      %select_n3A_634 = arith.select %and3A_631, %sub3A_633, %div3A_612 : i32
      %mul3A_635 = arith.constant 4096 : i32
      %mul3A_636 = arith.muli %select_n3A_634, %mul3A_635 : i32
      %add3A_637 = arith.addi %mul3A_636, %mul3A_2 : i32
      %add3A_638 = arith.constant 64 : i32
      %add3A_639 = arith.addi %add3A_637, %add3A_638 : i32
      %dma_start3A_640 = arith.constant 1 : i32
      %dma_start3A_641 = arith.constant 0 : i32
      %dma_start3A_642 = arith.constant 0 : i32
      %dma_start3A_643 = tpu.memref_slice %arg6[%dma_start3A_640, %dma_start3A_641, %dma_start3A_642] : memref<10x64x128xf32, #tpu.memory_space<vmem>> -> memref<1x64x128xf32, #tpu.memory_space<vmem>>
      %dma_start3A_644 = tpu.memref_squeeze %dma_start3A_643 : memref<1x64x128xf32, #tpu.memory_space<vmem>> -> memref<64x128xf32, #tpu.memory_space<vmem>>
      %dma_start3A_645 = arith.constant 0 : i32
      %dma_start3A_646 = tpu.memref_slice %arg4[%add3A_639, %dma_start3A_645] : memref<204800x128xf32, #tpu.memory_space<hbm>> -> memref<64x128xf32, #tpu.memory_space<hbm>>
      %dma_start3A_647 = arith.constant 0 : i32
      %dma_start3A_648 = tpu.memref_slice %arg4[%add3A_639, %dma_start3A_647] : memref<204800x128xf32, #tpu.memory_space<hbm>> -> memref<64x128xf32, #tpu.memory_space<hbm>>
      %dma_start3A_649 = arith.constant 0 : i32
      %dma_start3A_650 = arith.constant 0 : i32
      %dma_start3A_651 = tpu.memref_slice %arg6[%dma_start3A_640, %dma_start3A_649, %dma_start3A_650] : memref<10x64x128xf32, #tpu.memory_space<vmem>> -> memref<1x64x128xf32, #tpu.memory_space<vmem>>
      %dma_start3A_652 = tpu.memref_squeeze %dma_start3A_651 : memref<1x64x128xf32, #tpu.memory_space<vmem>> -> memref<64x128xf32, #tpu.memory_space<vmem>>
      tpu.enqueue_dma source(%dma_start3A_652 : memref<64x128xf32, #tpu.memory_space<vmem>>) target(%dma_start3A_648 : memref<64x128xf32, #tpu.memory_space<hbm>>) target_semaphore(%arg18 : memref<!tpu.dma_semaphore, #tpu.memory_space<semaphore_mem>>)
      %dma_wait3A_653 = arith.constant 0 : i32
      %dma_wait3A_654 = arith.constant 2 : i32
      %dma_wait3A_655 = arith.constant 0 : i32
      %dma_wait3A_656 = arith.constant 0 : i32
      %dma_wait3A_657 = tpu.memref_slice %arg6[%dma_wait3A_654, %dma_wait3A_655, %dma_wait3A_656] : memref<10x64x128xf32, #tpu.memory_space<vmem>> -> memref<1x64x128xf32, #tpu.memory_space<vmem>>
      %dma_wait3A_658 = tpu.memref_squeeze %dma_wait3A_657 : memref<1x64x128xf32, #tpu.memory_space<vmem>> -> memref<64x128xf32, #tpu.memory_space<vmem>>
      %dma_wait3A_659 = arith.constant 0 : i32
      %dma_wait3A_660 = tpu.memref_slice %arg5[%dma_wait3A_653, %dma_wait3A_659] : memref<50x128xi32, #tpu.memory_space<vmem>> -> memref<1x64xi32, #tpu.memory_space<vmem>>
      %dma_wait3A_661 = tpu.memref_squeeze %dma_wait3A_660 : memref<1x64xi32, #tpu.memory_space<vmem>> -> memref<64xi32, #tpu.memory_space<vmem>>
      %dma_wait3A_662 = arith.constant 0 : i32
      %dma_wait3A_663 = arith.constant 0 : i32
      %dma_wait3A_664 = tpu.memref_slice %arg3[%dma_wait3A_662, %dma_wait3A_663] : memref<100000x128xf32, #tpu.memory_space<hbm>> -> memref<100000x128xf32, #tpu.memory_space<hbm>>
      tpu.wait_indirect_dma semaphore(%arg9 : memref<!tpu.dma_semaphore, #tpu.memory_space<semaphore_mem>>) src(%dma_wait3A_664 : memref<100000x128xf32, #tpu.memory_space<hbm>>) dst(%dma_wait3A_658 : memref<64x128xf32, #tpu.memory_space<vmem>>)
      %add3A_665 = arith.constant 2 : i32
      %add3A_666 = arith.addi %mul3A_548, %add3A_665 : i32
      %jit3A_667 = arith.constant 2 : i32
      %div3A_668 = arith.divsi %add3A_666, %jit3A_667 : i32
      %sign3A_669 = arith.constant 0 : i32
      %sign3A_670 = arith.cmpi sgt, %add3A_666, %sign3A_669 : i32
      %sign3A_671 = arith.extui %sign3A_670 : i1 to i32
      %sign3A_672 = arith.constant 0 : i32
      %sign3A_673 = arith.cmpi slt, %add3A_666, %sign3A_672 : i32
      %sign3A_674 = arith.extui %sign3A_673 : i1 to i32
      %sign3A_675 = arith.subi %sign3A_671, %sign3A_674 : i32
      %sign3A_676 = arith.constant 0 : i32
      %sign3A_677 = arith.cmpi sgt, %jit3A_667, %sign3A_676 : i32
      %sign3A_678 = arith.extui %sign3A_677 : i1 to i32
      %sign3A_679 = arith.constant 0 : i32
      %sign3A_680 = arith.cmpi slt, %jit3A_667, %sign3A_679 : i32
      %sign3A_681 = arith.extui %sign3A_680 : i1 to i32
      %sign3A_682 = arith.subi %sign3A_678, %sign3A_681 : i32
      %ne3A_683 = arith.cmpi ne, %sign3A_675, %sign3A_682 : i32
      %rem3A_684 = arith.remsi %add3A_666, %jit3A_667 : i32
      %ne3A_685 = arith.constant 0 : i32
      %ne3A_686 = arith.cmpi ne, %rem3A_684, %ne3A_685 : i32
      %and3A_687 = arith.andi %ne3A_683, %ne3A_686 : i1
      %sub3A_688 = arith.constant 1 : i32
      %sub3A_689 = arith.subi %div3A_668, %sub3A_688 : i32
      %select_n3A_690 = arith.select %and3A_687, %sub3A_689, %div3A_668 : i32
      %mul3A_691 = arith.constant 4096 : i32
      %mul3A_692 = arith.muli %select_n3A_690, %mul3A_691 : i32
      %add3A_693 = arith.addi %mul3A_692, %mul3A_2 : i32
      %add3A_694 = arith.constant 0 : i32
      %add3A_695 = arith.addi %add3A_693, %add3A_694 : i32
      %dma_start3A_696 = arith.constant 2 : i32
      %dma_start3A_697 = arith.constant 0 : i32
      %dma_start3A_698 = arith.constant 0 : i32
      %dma_start3A_699 = tpu.memref_slice %arg6[%dma_start3A_696, %dma_start3A_697, %dma_start3A_698] : memref<10x64x128xf32, #tpu.memory_space<vmem>> -> memref<1x64x128xf32, #tpu.memory_space<vmem>>
      %dma_start3A_700 = tpu.memref_squeeze %dma_start3A_699 : memref<1x64x128xf32, #tpu.memory_space<vmem>> -> memref<64x128xf32, #tpu.memory_space<vmem>>
      %dma_start3A_701 = arith.constant 0 : i32
      %dma_start3A_702 = tpu.memref_slice %arg4[%add3A_695, %dma_start3A_701] : memref<204800x128xf32, #tpu.memory_space<hbm>> -> memref<64x128xf32, #tpu.memory_space<hbm>>
      %dma_start3A_703 = arith.constant 0 : i32
      %dma_start3A_704 = tpu.memref_slice %arg4[%add3A_695, %dma_start3A_703] : memref<204800x128xf32, #tpu.memory_space<hbm>> -> memref<64x128xf32, #tpu.memory_space<hbm>>
      %dma_start3A_705 = arith.constant 0 : i32
      %dma_start3A_706 = arith.constant 0 : i32
      %dma_start3A_707 = tpu.memref_slice %arg6[%dma_start3A_696, %dma_start3A_705, %dma_start3A_706] : memref<10x64x128xf32, #tpu.memory_space<vmem>> -> memref<1x64x128xf32, #tpu.memory_space<vmem>>
      %dma_start3A_708 = tpu.memref_squeeze %dma_start3A_707 : memref<1x64x128xf32, #tpu.memory_space<vmem>> -> memref<64x128xf32, #tpu.memory_space<vmem>>
      tpu.enqueue_dma source(%dma_start3A_708 : memref<64x128xf32, #tpu.memory_space<vmem>>) target(%dma_start3A_704 : memref<64x128xf32, #tpu.memory_space<hbm>>) target_semaphore(%arg19 : memref<!tpu.dma_semaphore, #tpu.memory_space<semaphore_mem>>)
      %dma_wait3A_709 = arith.constant 0 : i32
      %dma_wait3A_710 = arith.constant 3 : i32
      %dma_wait3A_711 = arith.constant 0 : i32
      %dma_wait3A_712 = arith.constant 0 : i32
      %dma_wait3A_713 = tpu.memref_slice %arg6[%dma_wait3A_710, %dma_wait3A_711, %dma_wait3A_712] : memref<10x64x128xf32, #tpu.memory_space<vmem>> -> memref<1x64x128xf32, #tpu.memory_space<vmem>>
      %dma_wait3A_714 = tpu.memref_squeeze %dma_wait3A_713 : memref<1x64x128xf32, #tpu.memory_space<vmem>> -> memref<64x128xf32, #tpu.memory_space<vmem>>
      %dma_wait3A_715 = arith.constant 0 : i32
      %dma_wait3A_716 = tpu.memref_slice %arg5[%dma_wait3A_709, %dma_wait3A_715] : memref<50x128xi32, #tpu.memory_space<vmem>> -> memref<1x64xi32, #tpu.memory_space<vmem>>
      %dma_wait3A_717 = tpu.memref_squeeze %dma_wait3A_716 : memref<1x64xi32, #tpu.memory_space<vmem>> -> memref<64xi32, #tpu.memory_space<vmem>>
      %dma_wait3A_718 = arith.constant 0 : i32
      %dma_wait3A_719 = arith.constant 0 : i32
      %dma_wait3A_720 = tpu.memref_slice %arg3[%dma_wait3A_718, %dma_wait3A_719] : memref<100000x128xf32, #tpu.memory_space<hbm>> -> memref<100000x128xf32, #tpu.memory_space<hbm>>
      tpu.wait_indirect_dma semaphore(%arg10 : memref<!tpu.dma_semaphore, #tpu.memory_space<semaphore_mem>>) src(%dma_wait3A_720 : memref<100000x128xf32, #tpu.memory_space<hbm>>) dst(%dma_wait3A_714 : memref<64x128xf32, #tpu.memory_space<vmem>>)
      %add3A_721 = arith.constant 3 : i32
      %add3A_722 = arith.addi %mul3A_548, %add3A_721 : i32
      %jit3A_723 = arith.constant 2 : i32
      %div3A_724 = arith.divsi %add3A_722, %jit3A_723 : i32
      %sign3A_725 = arith.constant 0 : i32
      %sign3A_726 = arith.cmpi sgt, %add3A_722, %sign3A_725 : i32
      %sign3A_727 = arith.extui %sign3A_726 : i1 to i32
      %sign3A_728 = arith.constant 0 : i32
      %sign3A_729 = arith.cmpi slt, %add3A_722, %sign3A_728 : i32
      %sign3A_730 = arith.extui %sign3A_729 : i1 to i32
      %sign3A_731 = arith.subi %sign3A_727, %sign3A_730 : i32
      %sign3A_732 = arith.constant 0 : i32
      %sign3A_733 = arith.cmpi sgt, %jit3A_723, %sign3A_732 : i32
      %sign3A_734 = arith.extui %sign3A_733 : i1 to i32
      %sign3A_735 = arith.constant 0 : i32
      %sign3A_736 = arith.cmpi slt, %jit3A_723, %sign3A_735 : i32
      %sign3A_737 = arith.extui %sign3A_736 : i1 to i32
      %sign3A_738 = arith.subi %sign3A_734, %sign3A_737 : i32
      %ne3A_739 = arith.cmpi ne, %sign3A_731, %sign3A_738 : i32
      %rem3A_740 = arith.remsi %add3A_722, %jit3A_723 : i32
      %ne3A_741 = arith.constant 0 : i32
      %ne3A_742 = arith.cmpi ne, %rem3A_740, %ne3A_741 : i32
      %and3A_743 = arith.andi %ne3A_739, %ne3A_742 : i1
      %sub3A_744 = arith.constant 1 : i32
      %sub3A_745 = arith.subi %div3A_724, %sub3A_744 : i32
      %select_n3A_746 = arith.select %and3A_743, %sub3A_745, %div3A_724 : i32
      %mul3A_747 = arith.constant 4096 : i32
      %mul3A_748 = arith.muli %select_n3A_746, %mul3A_747 : i32
      %add3A_749 = arith.addi %mul3A_748, %mul3A_2 : i32
      %add3A_750 = arith.constant 64 : i32
      %add3A_751 = arith.addi %add3A_749, %add3A_750 : i32
      %dma_start3A_752 = arith.constant 3 : i32
      %dma_start3A_753 = arith.constant 0 : i32
      %dma_start3A_754 = arith.constant 0 : i32
      %dma_start3A_755 = tpu.memref_slice %arg6[%dma_start3A_752, %dma_start3A_753, %dma_start3A_754] : memref<10x64x128xf32, #tpu.memory_space<vmem>> -> memref<1x64x128xf32, #tpu.memory_space<vmem>>
      %dma_start3A_756 = tpu.memref_squeeze %dma_start3A_755 : memref<1x64x128xf32, #tpu.memory_space<vmem>> -> memref<64x128xf32, #tpu.memory_space<vmem>>
      %dma_start3A_757 = arith.constant 0 : i32
      %dma_start3A_758 = tpu.memref_slice %arg4[%add3A_751, %dma_start3A_757] : memref<204800x128xf32, #tpu.memory_space<hbm>> -> memref<64x128xf32, #tpu.memory_space<hbm>>
      %dma_start3A_759 = arith.constant 0 : i32
      %dma_start3A_760 = tpu.memref_slice %arg4[%add3A_751, %dma_start3A_759] : memref<204800x128xf32, #tpu.memory_space<hbm>> -> memref<64x128xf32, #tpu.memory_space<hbm>>
      %dma_start3A_761 = arith.constant 0 : i32
      %dma_start3A_762 = arith.constant 0 : i32
      %dma_start3A_763 = tpu.memref_slice %arg6[%dma_start3A_752, %dma_start3A_761, %dma_start3A_762] : memref<10x64x128xf32, #tpu.memory_space<vmem>> -> memref<1x64x128xf32, #tpu.memory_space<vmem>>
      %dma_start3A_764 = tpu.memref_squeeze %dma_start3A_763 : memref<1x64x128xf32, #tpu.memory_space<vmem>> -> memref<64x128xf32, #tpu.memory_space<vmem>>
      tpu.enqueue_dma source(%dma_start3A_764 : memref<64x128xf32, #tpu.memory_space<vmem>>) target(%dma_start3A_760 : memref<64x128xf32, #tpu.memory_space<hbm>>) target_semaphore(%arg20 : memref<!tpu.dma_semaphore, #tpu.memory_space<semaphore_mem>>)
      %dma_wait3A_765 = arith.constant 0 : i32
      %dma_wait3A_766 = arith.constant 4 : i32
      %dma_wait3A_767 = arith.constant 0 : i32
      %dma_wait3A_768 = arith.constant 0 : i32
      %dma_wait3A_769 = tpu.memref_slice %arg6[%dma_wait3A_766, %dma_wait3A_767, %dma_wait3A_768] : memref<10x64x128xf32, #tpu.memory_space<vmem>> -> memref<1x64x128xf32, #tpu.memory_space<vmem>>
      %dma_wait3A_770 = tpu.memref_squeeze %dma_wait3A_769 : memref<1x64x128xf32, #tpu.memory_space<vmem>> -> memref<64x128xf32, #tpu.memory_space<vmem>>
      %dma_wait3A_771 = arith.constant 0 : i32
      %dma_wait3A_772 = tpu.memref_slice %arg5[%dma_wait3A_765, %dma_wait3A_771] : memref<50x128xi32, #tpu.memory_space<vmem>> -> memref<1x64xi32, #tpu.memory_space<vmem>>
      %dma_wait3A_773 = tpu.memref_squeeze %dma_wait3A_772 : memref<1x64xi32, #tpu.memory_space<vmem>> -> memref<64xi32, #tpu.memory_space<vmem>>
      %dma_wait3A_774 = arith.constant 0 : i32
      %dma_wait3A_775 = arith.constant 0 : i32
      %dma_wait3A_776 = tpu.memref_slice %arg3[%dma_wait3A_774, %dma_wait3A_775] : memref<100000x128xf32, #tpu.memory_space<hbm>> -> memref<100000x128xf32, #tpu.memory_space<hbm>>
      tpu.wait_indirect_dma semaphore(%arg11 : memref<!tpu.dma_semaphore, #tpu.memory_space<semaphore_mem>>) src(%dma_wait3A_776 : memref<100000x128xf32, #tpu.memory_space<hbm>>) dst(%dma_wait3A_770 : memref<64x128xf32, #tpu.memory_space<vmem>>)
      %add3A_777 = arith.constant 4 : i32
      %add3A_778 = arith.addi %mul3A_548, %add3A_777 : i32
      %jit3A_779 = arith.constant 2 : i32
      %div3A_780 = arith.divsi %add3A_778, %jit3A_779 : i32
      %sign3A_781 = arith.constant 0 : i32
      %sign3A_782 = arith.cmpi sgt, %add3A_778, %sign3A_781 : i32
      %sign3A_783 = arith.extui %sign3A_782 : i1 to i32
      %sign3A_784 = arith.constant 0 : i32
      %sign3A_785 = arith.cmpi slt, %add3A_778, %sign3A_784 : i32
      %sign3A_786 = arith.extui %sign3A_785 : i1 to i32
      %sign3A_787 = arith.subi %sign3A_783, %sign3A_786 : i32
      %sign3A_788 = arith.constant 0 : i32
      %sign3A_789 = arith.cmpi sgt, %jit3A_779, %sign3A_788 : i32
      %sign3A_790 = arith.extui %sign3A_789 : i1 to i32
      %sign3A_791 = arith.constant 0 : i32
      %sign3A_792 = arith.cmpi slt, %jit3A_779, %sign3A_791 : i32
      %sign3A_793 = arith.extui %sign3A_792 : i1 to i32
      %sign3A_794 = arith.subi %sign3A_790, %sign3A_793 : i32
      %ne3A_795 = arith.cmpi ne, %sign3A_787, %sign3A_794 : i32
      %rem3A_796 = arith.remsi %add3A_778, %jit3A_779 : i32
      %ne3A_797 = arith.constant 0 : i32
      %ne3A_798 = arith.cmpi ne, %rem3A_796, %ne3A_797 : i32
      %and3A_799 = arith.andi %ne3A_795, %ne3A_798 : i1
      %sub3A_800 = arith.constant 1 : i32
      %sub3A_801 = arith.subi %div3A_780, %sub3A_800 : i32
      %select_n3A_802 = arith.select %and3A_799, %sub3A_801, %div3A_780 : i32
      %mul3A_803 = arith.constant 4096 : i32
      %mul3A_804 = arith.muli %select_n3A_802, %mul3A_803 : i32
      %add3A_805 = arith.addi %mul3A_804, %mul3A_2 : i32
      %add3A_806 = arith.constant 0 : i32
      %add3A_807 = arith.addi %add3A_805, %add3A_806 : i32
      %dma_start3A_808 = arith.constant 4 : i32
      %dma_start3A_809 = arith.constant 0 : i32
      %dma_start3A_810 = arith.constant 0 : i32
      %dma_start3A_811 = tpu.memref_slice %arg6[%dma_start3A_808, %dma_start3A_809, %dma_start3A_810] : memref<10x64x128xf32, #tpu.memory_space<vmem>> -> memref<1x64x128xf32, #tpu.memory_space<vmem>>
      %dma_start3A_812 = tpu.memref_squeeze %dma_start3A_811 : memref<1x64x128xf32, #tpu.memory_space<vmem>> -> memref<64x128xf32, #tpu.memory_space<vmem>>
      %dma_start3A_813 = arith.constant 0 : i32
      %dma_start3A_814 = tpu.memref_slice %arg4[%add3A_807, %dma_start3A_813] : memref<204800x128xf32, #tpu.memory_space<hbm>> -> memref<64x128xf32, #tpu.memory_space<hbm>>
      %dma_start3A_815 = arith.constant 0 : i32
      %dma_start3A_816 = tpu.memref_slice %arg4[%add3A_807, %dma_start3A_815] : memref<204800x128xf32, #tpu.memory_space<hbm>> -> memref<64x128xf32, #tpu.memory_space<hbm>>
      %dma_start3A_817 = arith.constant 0 : i32
      %dma_start3A_818 = arith.constant 0 : i32
      %dma_start3A_819 = tpu.memref_slice %arg6[%dma_start3A_808, %dma_start3A_817, %dma_start3A_818] : memref<10x64x128xf32, #tpu.memory_space<vmem>> -> memref<1x64x128xf32, #tpu.memory_space<vmem>>
      %dma_start3A_820 = tpu.memref_squeeze %dma_start3A_819 : memref<1x64x128xf32, #tpu.memory_space<vmem>> -> memref<64x128xf32, #tpu.memory_space<vmem>>
      tpu.enqueue_dma source(%dma_start3A_820 : memref<64x128xf32, #tpu.memory_space<vmem>>) target(%dma_start3A_816 : memref<64x128xf32, #tpu.memory_space<hbm>>) target_semaphore(%arg21 : memref<!tpu.dma_semaphore, #tpu.memory_space<semaphore_mem>>)
      %dma_wait3A_821 = arith.constant 0 : i32
      %dma_wait3A_822 = arith.constant 5 : i32
      %dma_wait3A_823 = arith.constant 0 : i32
      %dma_wait3A_824 = arith.constant 0 : i32
      %dma_wait3A_825 = tpu.memref_slice %arg6[%dma_wait3A_822, %dma_wait3A_823, %dma_wait3A_824] : memref<10x64x128xf32, #tpu.memory_space<vmem>> -> memref<1x64x128xf32, #tpu.memory_space<vmem>>
      %dma_wait3A_826 = tpu.memref_squeeze %dma_wait3A_825 : memref<1x64x128xf32, #tpu.memory_space<vmem>> -> memref<64x128xf32, #tpu.memory_space<vmem>>
      %dma_wait3A_827 = arith.constant 0 : i32
      %dma_wait3A_828 = tpu.memref_slice %arg5[%dma_wait3A_821, %dma_wait3A_827] : memref<50x128xi32, #tpu.memory_space<vmem>> -> memref<1x64xi32, #tpu.memory_space<vmem>>
      %dma_wait3A_829 = tpu.memref_squeeze %dma_wait3A_828 : memref<1x64xi32, #tpu.memory_space<vmem>> -> memref<64xi32, #tpu.memory_space<vmem>>
      %dma_wait3A_830 = arith.constant 0 : i32
      %dma_wait3A_831 = arith.constant 0 : i32
      %dma_wait3A_832 = tpu.memref_slice %arg3[%dma_wait3A_830, %dma_wait3A_831] : memref<100000x128xf32, #tpu.memory_space<hbm>> -> memref<100000x128xf32, #tpu.memory_space<hbm>>
      tpu.wait_indirect_dma semaphore(%arg12 : memref<!tpu.dma_semaphore, #tpu.memory_space<semaphore_mem>>) src(%dma_wait3A_832 : memref<100000x128xf32, #tpu.memory_space<hbm>>) dst(%dma_wait3A_826 : memref<64x128xf32, #tpu.memory_space<vmem>>)
      %add3A_833 = arith.constant 5 : i32
      %add3A_834 = arith.addi %mul3A_548, %add3A_833 : i32
      %jit3A_835 = arith.constant 2 : i32
      %div3A_836 = arith.divsi %add3A_834, %jit3A_835 : i32
      %sign3A_837 = arith.constant 0 : i32
      %sign3A_838 = arith.cmpi sgt, %add3A_834, %sign3A_837 : i32
      %sign3A_839 = arith.extui %sign3A_838 : i1 to i32
      %sign3A_840 = arith.constant 0 : i32
      %sign3A_841 = arith.cmpi slt, %add3A_834, %sign3A_840 : i32
      %sign3A_842 = arith.extui %sign3A_841 : i1 to i32
      %sign3A_843 = arith.subi %sign3A_839, %sign3A_842 : i32
      %sign3A_844 = arith.constant 0 : i32
      %sign3A_845 = arith.cmpi sgt, %jit3A_835, %sign3A_844 : i32
      %sign3A_846 = arith.extui %sign3A_845 : i1 to i32
      %sign3A_847 = arith.constant 0 : i32
      %sign3A_848 = arith.cmpi slt, %jit3A_835, %sign3A_847 : i32
      %sign3A_849 = arith.extui %sign3A_848 : i1 to i32
      %sign3A_850 = arith.subi %sign3A_846, %sign3A_849 : i32
      %ne3A_851 = arith.cmpi ne, %sign3A_843, %sign3A_850 : i32
      %rem3A_852 = arith.remsi %add3A_834, %jit3A_835 : i32
      %ne3A_853 = arith.constant 0 : i32
      %ne3A_854 = arith.cmpi ne, %rem3A_852, %ne3A_853 : i32
      %and3A_855 = arith.andi %ne3A_851, %ne3A_854 : i1
      %sub3A_856 = arith.constant 1 : i32
      %sub3A_857 = arith.subi %div3A_836, %sub3A_856 : i32
      %select_n3A_858 = arith.select %and3A_855, %sub3A_857, %div3A_836 : i32
      %mul3A_859 = arith.constant 4096 : i32
      %mul3A_860 = arith.muli %select_n3A_858, %mul3A_859 : i32
      %add3A_861 = arith.addi %mul3A_860, %mul3A_2 : i32
      %add3A_862 = arith.constant 64 : i32
      %add3A_863 = arith.addi %add3A_861, %add3A_862 : i32
      %dma_start3A_864 = arith.constant 5 : i32
      %dma_start3A_865 = arith.constant 0 : i32
      %dma_start3A_866 = arith.constant 0 : i32
      %dma_start3A_867 = tpu.memref_slice %arg6[%dma_start3A_864, %dma_start3A_865, %dma_start3A_866] : memref<10x64x128xf32, #tpu.memory_space<vmem>> -> memref<1x64x128xf32, #tpu.memory_space<vmem>>
      %dma_start3A_868 = tpu.memref_squeeze %dma_start3A_867 : memref<1x64x128xf32, #tpu.memory_space<vmem>> -> memref<64x128xf32, #tpu.memory_space<vmem>>
      %dma_start3A_869 = arith.constant 0 : i32
      %dma_start3A_870 = tpu.memref_slice %arg4[%add3A_863, %dma_start3A_869] : memref<204800x128xf32, #tpu.memory_space<hbm>> -> memref<64x128xf32, #tpu.memory_space<hbm>>
      %dma_start3A_871 = arith.constant 0 : i32
      %dma_start3A_872 = tpu.memref_slice %arg4[%add3A_863, %dma_start3A_871] : memref<204800x128xf32, #tpu.memory_space<hbm>> -> memref<64x128xf32, #tpu.memory_space<hbm>>
      %dma_start3A_873 = arith.constant 0 : i32
      %dma_start3A_874 = arith.constant 0 : i32
      %dma_start3A_875 = tpu.memref_slice %arg6[%dma_start3A_864, %dma_start3A_873, %dma_start3A_874] : memref<10x64x128xf32, #tpu.memory_space<vmem>> -> memref<1x64x128xf32, #tpu.memory_space<vmem>>
      %dma_start3A_876 = tpu.memref_squeeze %dma_start3A_875 : memref<1x64x128xf32, #tpu.memory_space<vmem>> -> memref<64x128xf32, #tpu.memory_space<vmem>>
      tpu.enqueue_dma source(%dma_start3A_876 : memref<64x128xf32, #tpu.memory_space<vmem>>) target(%dma_start3A_872 : memref<64x128xf32, #tpu.memory_space<hbm>>) target_semaphore(%arg22 : memref<!tpu.dma_semaphore, #tpu.memory_space<semaphore_mem>>)
      %dma_wait3A_877 = arith.constant 0 : i32
      %dma_wait3A_878 = arith.constant 6 : i32
      %dma_wait3A_879 = arith.constant 0 : i32
      %dma_wait3A_880 = arith.constant 0 : i32
      %dma_wait3A_881 = tpu.memref_slice %arg6[%dma_wait3A_878, %dma_wait3A_879, %dma_wait3A_880] : memref<10x64x128xf32, #tpu.memory_space<vmem>> -> memref<1x64x128xf32, #tpu.memory_space<vmem>>
      %dma_wait3A_882 = tpu.memref_squeeze %dma_wait3A_881 : memref<1x64x128xf32, #tpu.memory_space<vmem>> -> memref<64x128xf32, #tpu.memory_space<vmem>>
      %dma_wait3A_883 = arith.constant 0 : i32
      %dma_wait3A_884 = tpu.memref_slice %arg5[%dma_wait3A_877, %dma_wait3A_883] : memref<50x128xi32, #tpu.memory_space<vmem>> -> memref<1x64xi32, #tpu.memory_space<vmem>>
      %dma_wait3A_885 = tpu.memref_squeeze %dma_wait3A_884 : memref<1x64xi32, #tpu.memory_space<vmem>> -> memref<64xi32, #tpu.memory_space<vmem>>
      %dma_wait3A_886 = arith.constant 0 : i32
      %dma_wait3A_887 = arith.constant 0 : i32
      %dma_wait3A_888 = tpu.memref_slice %arg3[%dma_wait3A_886, %dma_wait3A_887] : memref<100000x128xf32, #tpu.memory_space<hbm>> -> memref<100000x128xf32, #tpu.memory_space<hbm>>
      tpu.wait_indirect_dma semaphore(%arg13 : memref<!tpu.dma_semaphore, #tpu.memory_space<semaphore_mem>>) src(%dma_wait3A_888 : memref<100000x128xf32, #tpu.memory_space<hbm>>) dst(%dma_wait3A_882 : memref<64x128xf32, #tpu.memory_space<vmem>>)
      %add3A_889 = arith.constant 6 : i32
      %add3A_890 = arith.addi %mul3A_548, %add3A_889 : i32
      %jit3A_891 = arith.constant 2 : i32
      %div3A_892 = arith.divsi %add3A_890, %jit3A_891 : i32
      %sign3A_893 = arith.constant 0 : i32
      %sign3A_894 = arith.cmpi sgt, %add3A_890, %sign3A_893 : i32
      %sign3A_895 = arith.extui %sign3A_894 : i1 to i32
      %sign3A_896 = arith.constant 0 : i32
      %sign3A_897 = arith.cmpi slt, %add3A_890, %sign3A_896 : i32
      %sign3A_898 = arith.extui %sign3A_897 : i1 to i32
      %sign3A_899 = arith.subi %sign3A_895, %sign3A_898 : i32
      %sign3A_900 = arith.constant 0 : i32
      %sign3A_901 = arith.cmpi sgt, %jit3A_891, %sign3A_900 : i32
      %sign3A_902 = arith.extui %sign3A_901 : i1 to i32
      %sign3A_903 = arith.constant 0 : i32
      %sign3A_904 = arith.cmpi slt, %jit3A_891, %sign3A_903 : i32
      %sign3A_905 = arith.extui %sign3A_904 : i1 to i32
      %sign3A_906 = arith.subi %sign3A_902, %sign3A_905 : i32
      %ne3A_907 = arith.cmpi ne, %sign3A_899, %sign3A_906 : i32
      %rem3A_908 = arith.remsi %add3A_890, %jit3A_891 : i32
      %ne3A_909 = arith.constant 0 : i32
      %ne3A_910 = arith.cmpi ne, %rem3A_908, %ne3A_909 : i32
      %and3A_911 = arith.andi %ne3A_907, %ne3A_910 : i1
      %sub3A_912 = arith.constant 1 : i32
      %sub3A_913 = arith.subi %div3A_892, %sub3A_912 : i32
      %select_n3A_914 = arith.select %and3A_911, %sub3A_913, %div3A_892 : i32
      %mul3A_915 = arith.constant 4096 : i32
      %mul3A_916 = arith.muli %select_n3A_914, %mul3A_915 : i32
      %add3A_917 = arith.addi %mul3A_916, %mul3A_2 : i32
      %add3A_918 = arith.constant 0 : i32
      %add3A_919 = arith.addi %add3A_917, %add3A_918 : i32
      %dma_start3A_920 = arith.constant 6 : i32
      %dma_start3A_921 = arith.constant 0 : i32
      %dma_start3A_922 = arith.constant 0 : i32
      %dma_start3A_923 = tpu.memref_slice %arg6[%dma_start3A_920, %dma_start3A_921, %dma_start3A_922] : memref<10x64x128xf32, #tpu.memory_space<vmem>> -> memref<1x64x128xf32, #tpu.memory_space<vmem>>
      %dma_start3A_924 = tpu.memref_squeeze %dma_start3A_923 : memref<1x64x128xf32, #tpu.memory_space<vmem>> -> memref<64x128xf32, #tpu.memory_space<vmem>>
      %dma_start3A_925 = arith.constant 0 : i32
      %dma_start3A_926 = tpu.memref_slice %arg4[%add3A_919, %dma_start3A_925] : memref<204800x128xf32, #tpu.memory_space<hbm>> -> memref<64x128xf32, #tpu.memory_space<hbm>>
      %dma_start3A_927 = arith.constant 0 : i32
      %dma_start3A_928 = tpu.memref_slice %arg4[%add3A_919, %dma_start3A_927] : memref<204800x128xf32, #tpu.memory_space<hbm>> -> memref<64x128xf32, #tpu.memory_space<hbm>>
      %dma_start3A_929 = arith.constant 0 : i32
      %dma_start3A_930 = arith.constant 0 : i32
      %dma_start3A_931 = tpu.memref_slice %arg6[%dma_start3A_920, %dma_start3A_929, %dma_start3A_930] : memref<10x64x128xf32, #tpu.memory_space<vmem>> -> memref<1x64x128xf32, #tpu.memory_space<vmem>>
      %dma_start3A_932 = tpu.memref_squeeze %dma_start3A_931 : memref<1x64x128xf32, #tpu.memory_space<vmem>> -> memref<64x128xf32, #tpu.memory_space<vmem>>
      tpu.enqueue_dma source(%dma_start3A_932 : memref<64x128xf32, #tpu.memory_space<vmem>>) target(%dma_start3A_928 : memref<64x128xf32, #tpu.memory_space<hbm>>) target_semaphore(%arg23 : memref<!tpu.dma_semaphore, #tpu.memory_space<semaphore_mem>>)
      %dma_wait3A_933 = arith.constant 0 : i32
      %dma_wait3A_934 = arith.constant 7 : i32
      %dma_wait3A_935 = arith.constant 0 : i32
      %dma_wait3A_936 = arith.constant 0 : i32
      %dma_wait3A_937 = tpu.memref_slice %arg6[%dma_wait3A_934, %dma_wait3A_935, %dma_wait3A_936] : memref<10x64x128xf32, #tpu.memory_space<vmem>> -> memref<1x64x128xf32, #tpu.memory_space<vmem>>
      %dma_wait3A_938 = tpu.memref_squeeze %dma_wait3A_937 : memref<1x64x128xf32, #tpu.memory_space<vmem>> -> memref<64x128xf32, #tpu.memory_space<vmem>>
      %dma_wait3A_939 = arith.constant 0 : i32
      %dma_wait3A_940 = tpu.memref_slice %arg5[%dma_wait3A_933, %dma_wait3A_939] : memref<50x128xi32, #tpu.memory_space<vmem>> -> memref<1x64xi32, #tpu.memory_space<vmem>>
      %dma_wait3A_941 = tpu.memref_squeeze %dma_wait3A_940 : memref<1x64xi32, #tpu.memory_space<vmem>> -> memref<64xi32, #tpu.memory_space<vmem>>
      %dma_wait3A_942 = arith.constant 0 : i32
      %dma_wait3A_943 = arith.constant 0 : i32
      %dma_wait3A_944 = tpu.memref_slice %arg3[%dma_wait3A_942, %dma_wait3A_943] : memref<100000x128xf32, #tpu.memory_space<hbm>> -> memref<100000x128xf32, #tpu.memory_space<hbm>>
      tpu.wait_indirect_dma semaphore(%arg14 : memref<!tpu.dma_semaphore, #tpu.memory_space<semaphore_mem>>) src(%dma_wait3A_944 : memref<100000x128xf32, #tpu.memory_space<hbm>>) dst(%dma_wait3A_938 : memref<64x128xf32, #tpu.memory_space<vmem>>)
      %add3A_945 = arith.constant 7 : i32
      %add3A_946 = arith.addi %mul3A_548, %add3A_945 : i32
      %jit3A_947 = arith.constant 2 : i32
      %div3A_948 = arith.divsi %add3A_946, %jit3A_947 : i32
      %sign3A_949 = arith.constant 0 : i32
      %sign3A_950 = arith.cmpi sgt, %add3A_946, %sign3A_949 : i32
      %sign3A_951 = arith.extui %sign3A_950 : i1 to i32
      %sign3A_952 = arith.constant 0 : i32
      %sign3A_953 = arith.cmpi slt, %add3A_946, %sign3A_952 : i32
      %sign3A_954 = arith.extui %sign3A_953 : i1 to i32
      %sign3A_955 = arith.subi %sign3A_951, %sign3A_954 : i32
      %sign3A_956 = arith.constant 0 : i32
      %sign3A_957 = arith.cmpi sgt, %jit3A_947, %sign3A_956 : i32
      %sign3A_958 = arith.extui %sign3A_957 : i1 to i32
      %sign3A_959 = arith.constant 0 : i32
      %sign3A_960 = arith.cmpi slt, %jit3A_947, %sign3A_959 : i32
      %sign3A_961 = arith.extui %sign3A_960 : i1 to i32
      %sign3A_962 = arith.subi %sign3A_958, %sign3A_961 : i32
      %ne3A_963 = arith.cmpi ne, %sign3A_955, %sign3A_962 : i32
      %rem3A_964 = arith.remsi %add3A_946, %jit3A_947 : i32
      %ne3A_965 = arith.constant 0 : i32
      %ne3A_966 = arith.cmpi ne, %rem3A_964, %ne3A_965 : i32
      %and3A_967 = arith.andi %ne3A_963, %ne3A_966 : i1
      %sub3A_968 = arith.constant 1 : i32
      %sub3A_969 = arith.subi %div3A_948, %sub3A_968 : i32
      %select_n3A_970 = arith.select %and3A_967, %sub3A_969, %div3A_948 : i32
      %mul3A_971 = arith.constant 4096 : i32
      %mul3A_972 = arith.muli %select_n3A_970, %mul3A_971 : i32
      %add3A_973 = arith.addi %mul3A_972, %mul3A_2 : i32
      %add3A_974 = arith.constant 64 : i32
      %add3A_975 = arith.addi %add3A_973, %add3A_974 : i32
      %dma_start3A_976 = arith.constant 7 : i32
      %dma_start3A_977 = arith.constant 0 : i32
      %dma_start3A_978 = arith.constant 0 : i32
      %dma_start3A_979 = tpu.memref_slice %arg6[%dma_start3A_976, %dma_start3A_977, %dma_start3A_978] : memref<10x64x128xf32, #tpu.memory_space<vmem>> -> memref<1x64x128xf32, #tpu.memory_space<vmem>>
      %dma_start3A_980 = tpu.memref_squeeze %dma_start3A_979 : memref<1x64x128xf32, #tpu.memory_space<vmem>> -> memref<64x128xf32, #tpu.memory_space<vmem>>
      %dma_start3A_981 = arith.constant 0 : i32
      %dma_start3A_982 = tpu.memref_slice %arg4[%add3A_975, %dma_start3A_981] : memref<204800x128xf32, #tpu.memory_space<hbm>> -> memref<64x128xf32, #tpu.memory_space<hbm>>
      %dma_start3A_983 = arith.constant 0 : i32
      %dma_start3A_984 = tpu.memref_slice %arg4[%add3A_975, %dma_start3A_983] : memref<204800x128xf32, #tpu.memory_space<hbm>> -> memref<64x128xf32, #tpu.memory_space<hbm>>
      %dma_start3A_985 = arith.constant 0 : i32
      %dma_start3A_986 = arith.constant 0 : i32
      %dma_start3A_987 = tpu.memref_slice %arg6[%dma_start3A_976, %dma_start3A_985, %dma_start3A_986] : memref<10x64x128xf32, #tpu.memory_space<vmem>> -> memref<1x64x128xf32, #tpu.memory_space<vmem>>
      %dma_start3A_988 = tpu.memref_squeeze %dma_start3A_987 : memref<1x64x128xf32, #tpu.memory_space<vmem>> -> memref<64x128xf32, #tpu.memory_space<vmem>>
      tpu.enqueue_dma source(%dma_start3A_988 : memref<64x128xf32, #tpu.memory_space<vmem>>) target(%dma_start3A_984 : memref<64x128xf32, #tpu.memory_space<hbm>>) target_semaphore(%arg24 : memref<!tpu.dma_semaphore, #tpu.memory_space<semaphore_mem>>)
      %dma_wait3A_989 = arith.constant 0 : i32
      %dma_wait3A_990 = arith.constant 8 : i32
      %dma_wait3A_991 = arith.constant 0 : i32
      %dma_wait3A_992 = arith.constant 0 : i32
      %dma_wait3A_993 = tpu.memref_slice %arg6[%dma_wait3A_990, %dma_wait3A_991, %dma_wait3A_992] : memref<10x64x128xf32, #tpu.memory_space<vmem>> -> memref<1x64x128xf32, #tpu.memory_space<vmem>>
      %dma_wait3A_994 = tpu.memref_squeeze %dma_wait3A_993 : memref<1x64x128xf32, #tpu.memory_space<vmem>> -> memref<64x128xf32, #tpu.memory_space<vmem>>
      %dma_wait3A_995 = arith.constant 0 : i32
      %dma_wait3A_996 = tpu.memref_slice %arg5[%dma_wait3A_989, %dma_wait3A_995] : memref<50x128xi32, #tpu.memory_space<vmem>> -> memref<1x64xi32, #tpu.memory_space<vmem>>
      %dma_wait3A_997 = tpu.memref_squeeze %dma_wait3A_996 : memref<1x64xi32, #tpu.memory_space<vmem>> -> memref<64xi32, #tpu.memory_space<vmem>>
      %dma_wait3A_998 = arith.constant 0 : i32
      %dma_wait3A_999 = arith.constant 0 : i32
      %dma_wait3A_1000 = tpu.memref_slice %arg3[%dma_wait3A_998, %dma_wait3A_999] : memref<100000x128xf32, #tpu.memory_space<hbm>> -> memref<100000x128xf32, #tpu.memory_space<hbm>>
      tpu.wait_indirect_dma semaphore(%arg15 : memref<!tpu.dma_semaphore, #tpu.memory_space<semaphore_mem>>) src(%dma_wait3A_1000 : memref<100000x128xf32, #tpu.memory_space<hbm>>) dst(%dma_wait3A_994 : memref<64x128xf32, #tpu.memory_space<vmem>>)
      %add3A_1001 = arith.constant 8 : i32
      %add3A_1002 = arith.addi %mul3A_548, %add3A_1001 : i32
      %jit3A_1003 = arith.constant 2 : i32
      %div3A_1004 = arith.divsi %add3A_1002, %jit3A_1003 : i32
      %sign3A_1005 = arith.constant 0 : i32
      %sign3A_1006 = arith.cmpi sgt, %add3A_1002, %sign3A_1005 : i32
      %sign3A_1007 = arith.extui %sign3A_1006 : i1 to i32
      %sign3A_1008 = arith.constant 0 : i32
      %sign3A_1009 = arith.cmpi slt, %add3A_1002, %sign3A_1008 : i32
      %sign3A_1010 = arith.extui %sign3A_1009 : i1 to i32
      %sign3A_1011 = arith.subi %sign3A_1007, %sign3A_1010 : i32
      %sign3A_1012 = arith.constant 0 : i32
      %sign3A_1013 = arith.cmpi sgt, %jit3A_1003, %sign3A_1012 : i32
      %sign3A_1014 = arith.extui %sign3A_1013 : i1 to i32
      %sign3A_1015 = arith.constant 0 : i32
      %sign3A_1016 = arith.cmpi slt, %jit3A_1003, %sign3A_1015 : i32
      %sign3A_1017 = arith.extui %sign3A_1016 : i1 to i32
      %sign3A_1018 = arith.subi %sign3A_1014, %sign3A_1017 : i32
      %ne3A_1019 = arith.cmpi ne, %sign3A_1011, %sign3A_1018 : i32
      %rem3A_1020 = arith.remsi %add3A_1002, %jit3A_1003 : i32
      %ne3A_1021 = arith.constant 0 : i32
      %ne3A_1022 = arith.cmpi ne, %rem3A_1020, %ne3A_1021 : i32
      %and3A_1023 = arith.andi %ne3A_1019, %ne3A_1022 : i1
      %sub3A_1024 = arith.constant 1 : i32
      %sub3A_1025 = arith.subi %div3A_1004, %sub3A_1024 : i32
      %select_n3A_1026 = arith.select %and3A_1023, %sub3A_1025, %div3A_1004 : i32
      %mul3A_1027 = arith.constant 4096 : i32
      %mul3A_1028 = arith.muli %select_n3A_1026, %mul3A_1027 : i32
      %add3A_1029 = arith.addi %mul3A_1028, %mul3A_2 : i32
      %add3A_1030 = arith.constant 0 : i32
      %add3A_1031 = arith.addi %add3A_1029, %add3A_1030 : i32
      %dma_start3A_1032 = arith.constant 8 : i32
      %dma_start3A_1033 = arith.constant 0 : i32
      %dma_start3A_1034 = arith.constant 0 : i32
      %dma_start3A_1035 = tpu.memref_slice %arg6[%dma_start3A_1032, %dma_start3A_1033, %dma_start3A_1034] : memref<10x64x128xf32, #tpu.memory_space<vmem>> -> memref<1x64x128xf32, #tpu.memory_space<vmem>>
      %dma_start3A_1036 = tpu.memref_squeeze %dma_start3A_1035 : memref<1x64x128xf32, #tpu.memory_space<vmem>> -> memref<64x128xf32, #tpu.memory_space<vmem>>
      %dma_start3A_1037 = arith.constant 0 : i32
      %dma_start3A_1038 = tpu.memref_slice %arg4[%add3A_1031, %dma_start3A_1037] : memref<204800x128xf32, #tpu.memory_space<hbm>> -> memref<64x128xf32, #tpu.memory_space<hbm>>
      %dma_start3A_1039 = arith.constant 0 : i32
      %dma_start3A_1040 = tpu.memref_slice %arg4[%add3A_1031, %dma_start3A_1039] : memref<204800x128xf32, #tpu.memory_space<hbm>> -> memref<64x128xf32, #tpu.memory_space<hbm>>
      %dma_start3A_1041 = arith.constant 0 : i32
      %dma_start3A_1042 = arith.constant 0 : i32
      %dma_start3A_1043 = tpu.memref_slice %arg6[%dma_start3A_1032, %dma_start3A_1041, %dma_start3A_1042] : memref<10x64x128xf32, #tpu.memory_space<vmem>> -> memref<1x64x128xf32, #tpu.memory_space<vmem>>
      %dma_start3A_1044 = tpu.memref_squeeze %dma_start3A_1043 : memref<1x64x128xf32, #tpu.memory_space<vmem>> -> memref<64x128xf32, #tpu.memory_space<vmem>>
      tpu.enqueue_dma source(%dma_start3A_1044 : memref<64x128xf32, #tpu.memory_space<vmem>>) target(%dma_start3A_1040 : memref<64x128xf32, #tpu.memory_space<hbm>>) target_semaphore(%arg25 : memref<!tpu.dma_semaphore, #tpu.memory_space<semaphore_mem>>)
      %dma_wait3A_1045 = arith.constant 0 : i32
      %dma_wait3A_1046 = arith.constant 9 : i32
      %dma_wait3A_1047 = arith.constant 0 : i32
      %dma_wait3A_1048 = arith.constant 0 : i32
      %dma_wait3A_1049 = tpu.memref_slice %arg6[%dma_wait3A_1046, %dma_wait3A_1047, %dma_wait3A_1048] : memref<10x64x128xf32, #tpu.memory_space<vmem>> -> memref<1x64x128xf32, #tpu.memory_space<vmem>>
      %dma_wait3A_1050 = tpu.memref_squeeze %dma_wait3A_1049 : memref<1x64x128xf32, #tpu.memory_space<vmem>> -> memref<64x128xf32, #tpu.memory_space<vmem>>
      %dma_wait3A_1051 = arith.constant 0 : i32
      %dma_wait3A_1052 = tpu.memref_slice %arg5[%dma_wait3A_1045, %dma_wait3A_1051] : memref<50x128xi32, #tpu.memory_space<vmem>> -> memref<1x64xi32, #tpu.memory_space<vmem>>
      %dma_wait3A_1053 = tpu.memref_squeeze %dma_wait3A_1052 : memref<1x64xi32, #tpu.memory_space<vmem>> -> memref<64xi32, #tpu.memory_space<vmem>>
      %dma_wait3A_1054 = arith.constant 0 : i32
      %dma_wait3A_1055 = arith.constant 0 : i32
      %dma_wait3A_1056 = tpu.memref_slice %arg3[%dma_wait3A_1054, %dma_wait3A_1055] : memref<100000x128xf32, #tpu.memory_space<hbm>> -> memref<100000x128xf32, #tpu.memory_space<hbm>>
      tpu.wait_indirect_dma semaphore(%arg16 : memref<!tpu.dma_semaphore, #tpu.memory_space<semaphore_mem>>) src(%dma_wait3A_1056 : memref<100000x128xf32, #tpu.memory_space<hbm>>) dst(%dma_wait3A_1050 : memref<64x128xf32, #tpu.memory_space<vmem>>)
      %add3A_1057 = arith.constant 9 : i32
      %add3A_1058 = arith.addi %mul3A_548, %add3A_1057 : i32
      %jit3A_1059 = arith.constant 2 : i32
      %div3A_1060 = arith.divsi %add3A_1058, %jit3A_1059 : i32
      %sign3A_1061 = arith.constant 0 : i32
      %sign3A_1062 = arith.cmpi sgt, %add3A_1058, %sign3A_1061 : i32
      %sign3A_1063 = arith.extui %sign3A_1062 : i1 to i32
      %sign3A_1064 = arith.constant 0 : i32
      %sign3A_1065 = arith.cmpi slt, %add3A_1058, %sign3A_1064 : i32
      %sign3A_1066 = arith.extui %sign3A_1065 : i1 to i32
      %sign3A_1067 = arith.subi %sign3A_1063, %sign3A_1066 : i32
      %sign3A_1068 = arith.constant 0 : i32
      %sign3A_1069 = arith.cmpi sgt, %jit3A_1059, %sign3A_1068 : i32
      %sign3A_1070 = arith.extui %sign3A_1069 : i1 to i32
      %sign3A_1071 = arith.constant 0 : i32
      %sign3A_1072 = arith.cmpi slt, %jit3A_1059, %sign3A_1071 : i32
      %sign3A_1073 = arith.extui %sign3A_1072 : i1 to i32
      %sign3A_1074 = arith.subi %sign3A_1070, %sign3A_1073 : i32
      %ne3A_1075 = arith.cmpi ne, %sign3A_1067, %sign3A_1074 : i32
      %rem3A_1076 = arith.remsi %add3A_1058, %jit3A_1059 : i32
      %ne3A_1077 = arith.constant 0 : i32
      %ne3A_1078 = arith.cmpi ne, %rem3A_1076, %ne3A_1077 : i32
      %and3A_1079 = arith.andi %ne3A_1075, %ne3A_1078 : i1
      %sub3A_1080 = arith.constant 1 : i32
      %sub3A_1081 = arith.subi %div3A_1060, %sub3A_1080 : i32
      %select_n3A_1082 = arith.select %and3A_1079, %sub3A_1081, %div3A_1060 : i32
      %mul3A_1083 = arith.constant 4096 : i32
      %mul3A_1084 = arith.muli %select_n3A_1082, %mul3A_1083 : i32
      %add3A_1085 = arith.addi %mul3A_1084, %mul3A_2 : i32
      %add3A_1086 = arith.constant 64 : i32
      %add3A_1087 = arith.addi %add3A_1085, %add3A_1086 : i32
      %dma_start3A_1088 = arith.constant 9 : i32
      %dma_start3A_1089 = arith.constant 0 : i32
      %dma_start3A_1090 = arith.constant 0 : i32
      %dma_start3A_1091 = tpu.memref_slice %arg6[%dma_start3A_1088, %dma_start3A_1089, %dma_start3A_1090] : memref<10x64x128xf32, #tpu.memory_space<vmem>> -> memref<1x64x128xf32, #tpu.memory_space<vmem>>
      %dma_start3A_1092 = tpu.memref_squeeze %dma_start3A_1091 : memref<1x64x128xf32, #tpu.memory_space<vmem>> -> memref<64x128xf32, #tpu.memory_space<vmem>>
      %dma_start3A_1093 = arith.constant 0 : i32
      %dma_start3A_1094 = tpu.memref_slice %arg4[%add3A_1087, %dma_start3A_1093] : memref<204800x128xf32, #tpu.memory_space<hbm>> -> memref<64x128xf32, #tpu.memory_space<hbm>>
      %dma_start3A_1095 = arith.constant 0 : i32
      %dma_start3A_1096 = tpu.memref_slice %arg4[%add3A_1087, %dma_start3A_1095] : memref<204800x128xf32, #tpu.memory_space<hbm>> -> memref<64x128xf32, #tpu.memory_space<hbm>>
      %dma_start3A_1097 = arith.constant 0 : i32
      %dma_start3A_1098 = arith.constant 0 : i32
      %dma_start3A_1099 = tpu.memref_slice %arg6[%dma_start3A_1088, %dma_start3A_1097, %dma_start3A_1098] : memref<10x64x128xf32, #tpu.memory_space<vmem>> -> memref<1x64x128xf32, #tpu.memory_space<vmem>>
      %dma_start3A_1100 = tpu.memref_squeeze %dma_start3A_1099 : memref<1x64x128xf32, #tpu.memory_space<vmem>> -> memref<64x128xf32, #tpu.memory_space<vmem>>
      tpu.enqueue_dma source(%dma_start3A_1100 : memref<64x128xf32, #tpu.memory_space<vmem>>) target(%dma_start3A_1096 : memref<64x128xf32, #tpu.memory_space<hbm>>) target_semaphore(%arg26 : memref<!tpu.dma_semaphore, #tpu.memory_space<semaphore_mem>>)
      %dma_wait3A_1101 = arith.constant 0 : i32
      %dma_wait3A_1102 = arith.constant 0 : i32
      %dma_wait3A_1103 = arith.constant 0 : i32
      %dma_wait3A_1104 = tpu.memref_slice %arg6[%dma_wait3A_1101, %dma_wait3A_1102, %dma_wait3A_1103] : memref<10x64x128xf32, #tpu.memory_space<vmem>> -> memref<1x64x128xf32, #tpu.memory_space<vmem>>
      %dma_wait3A_1105 = tpu.memref_squeeze %dma_wait3A_1104 : memref<1x64x128xf32, #tpu.memory_space<vmem>> -> memref<64x128xf32, #tpu.memory_space<vmem>>
      %dma_wait3A_1106 = arith.constant 0 : i32
      %dma_wait3A_1107 = tpu.memref_slice %arg4[%mul3A_2, %dma_wait3A_1106] : memref<204800x128xf32, #tpu.memory_space<hbm>> -> memref<64x128xf32, #tpu.memory_space<hbm>>
      %dma_wait3A_1108 = arith.constant 0 : i32
      %dma_wait3A_1109 = tpu.memref_slice %arg4[%mul3A_2, %dma_wait3A_1108] : memref<204800x128xf32, #tpu.memory_space<hbm>> -> memref<64x128xf32, #tpu.memory_space<hbm>>
      %dma_wait3A_1110 = arith.constant 0 : i32
      %dma_wait3A_1111 = arith.constant 0 : i32
      %dma_wait3A_1112 = tpu.memref_slice %arg6[%dma_wait3A_1101, %dma_wait3A_1110, %dma_wait3A_1111] : memref<10x64x128xf32, #tpu.memory_space<vmem>> -> memref<1x64x128xf32, #tpu.memory_space<vmem>>
      %dma_wait3A_1113 = tpu.memref_squeeze %dma_wait3A_1112 : memref<1x64x128xf32, #tpu.memory_space<vmem>> -> memref<64x128xf32, #tpu.memory_space<vmem>>
      tpu.wait_dma2 semaphore(%arg17 : memref<!tpu.dma_semaphore, #tpu.memory_space<semaphore_mem>>) src(%dma_wait3A_1113 : memref<64x128xf32, #tpu.memory_space<vmem>>) dst(%dma_wait3A_1109 : memref<64x128xf32, #tpu.memory_space<hbm>>)
      %add3A_1114 = arith.constant 0 : i32
      %add3A_1115 = arith.addi %mul3A_548, %add3A_1114 : i32
      %add3A_1116 = arith.constant 10 : i32
      %add3A_1117 = arith.addi %add3A_1115, %add3A_1116 : i32
      %jit3A_1118 = arith.constant 2 : i32
      %div3A_1119 = arith.divsi %add3A_1117, %jit3A_1118 : i32
      %sign3A_1120 = arith.constant 0 : i32
      %sign3A_1121 = arith.cmpi sgt, %add3A_1117, %sign3A_1120 : i32
      %sign3A_1122 = arith.extui %sign3A_1121 : i1 to i32
      %sign3A_1123 = arith.constant 0 : i32
      %sign3A_1124 = arith.cmpi slt, %add3A_1117, %sign3A_1123 : i32
      %sign3A_1125 = arith.extui %sign3A_1124 : i1 to i32
      %sign3A_1126 = arith.subi %sign3A_1122, %sign3A_1125 : i32
      %sign3A_1127 = arith.constant 0 : i32
      %sign3A_1128 = arith.cmpi sgt, %jit3A_1118, %sign3A_1127 : i32
      %sign3A_1129 = arith.extui %sign3A_1128 : i1 to i32
      %sign3A_1130 = arith.constant 0 : i32
      %sign3A_1131 = arith.cmpi slt, %jit3A_1118, %sign3A_1130 : i32
      %sign3A_1132 = arith.extui %sign3A_1131 : i1 to i32
      %sign3A_1133 = arith.subi %sign3A_1129, %sign3A_1132 : i32
      %ne3A_1134 = arith.cmpi ne, %sign3A_1126, %sign3A_1133 : i32
      %rem3A_1135 = arith.remsi %add3A_1117, %jit3A_1118 : i32
      %ne3A_1136 = arith.constant 0 : i32
      %ne3A_1137 = arith.cmpi ne, %rem3A_1135, %ne3A_1136 : i32
      %and3A_1138 = arith.andi %ne3A_1134, %ne3A_1137 : i1
      %sub3A_1139 = arith.constant 1 : i32
      %sub3A_1140 = arith.subi %div3A_1119, %sub3A_1139 : i32
      %select_n3A_1141 = arith.select %and3A_1138, %sub3A_1140, %div3A_1119 : i32
      %dma_start3A_1142 = arith.constant 0 : i32
      %dma_start3A_1143 = arith.constant 0 : i32
      %dma_start3A_1144 = arith.constant 0 : i32
      %dma_start3A_1145 = tpu.memref_slice %arg6[%dma_start3A_1142, %dma_start3A_1143, %dma_start3A_1144] : memref<10x64x128xf32, #tpu.memory_space<vmem>> -> memref<1x64x128xf32, #tpu.memory_space<vmem>>
      %dma_start3A_1146 = tpu.memref_squeeze %dma_start3A_1145 : memref<1x64x128xf32, #tpu.memory_space<vmem>> -> memref<64x128xf32, #tpu.memory_space<vmem>>
      %dma_start3A_1147 = arith.constant 0 : i32
      %dma_start3A_1148 = tpu.memref_slice %arg5[%select_n3A_1141, %dma_start3A_1147] : memref<50x128xi32, #tpu.memory_space<vmem>> -> memref<1x64xi32, #tpu.memory_space<vmem>>
      %dma_start3A_1149 = tpu.memref_squeeze %dma_start3A_1148 : memref<1x64xi32, #tpu.memory_space<vmem>> -> memref<64xi32, #tpu.memory_space<vmem>>
      %dma_start3A_1150 = arith.constant 0 : i32
      %dma_start3A_1151 = arith.constant 0 : i32
      %dma_start3A_1152 = tpu.memref_slice %arg3[%dma_start3A_1150, %dma_start3A_1151] : memref<100000x128xf32, #tpu.memory_space<hbm>> -> memref<100000x128xf32, #tpu.memory_space<hbm>>
      tpu.enqueue_indirect_dma source(%dma_start3A_1152 : memref<100000x128xf32, #tpu.memory_space<hbm>>) target(%dma_start3A_1146 : memref<64x128xf32, #tpu.memory_space<vmem>>) offsets(%dma_start3A_1149 : memref<64xi32, #tpu.memory_space<vmem>>) semaphore(%arg7 : memref<!tpu.dma_semaphore, #tpu.memory_space<semaphore_mem>>)
      %dma_wait3A_1153 = arith.constant 1 : i32
      %dma_wait3A_1154 = arith.constant 0 : i32
      %dma_wait3A_1155 = arith.constant 0 : i32
      %dma_wait3A_1156 = tpu.memref_slice %arg6[%dma_wait3A_1153, %dma_wait3A_1154, %dma_wait3A_1155] : memref<10x64x128xf32, #tpu.memory_space<vmem>> -> memref<1x64x128xf32, #tpu.memory_space<vmem>>
      %dma_wait3A_1157 = tpu.memref_squeeze %dma_wait3A_1156 : memref<1x64x128xf32, #tpu.memory_space<vmem>> -> memref<64x128xf32, #tpu.memory_space<vmem>>
      %dma_wait3A_1158 = arith.constant 0 : i32
      %dma_wait3A_1159 = tpu.memref_slice %arg4[%mul3A_2, %dma_wait3A_1158] : memref<204800x128xf32, #tpu.memory_space<hbm>> -> memref<64x128xf32, #tpu.memory_space<hbm>>
      %dma_wait3A_1160 = arith.constant 0 : i32
      %dma_wait3A_1161 = tpu.memref_slice %arg4[%mul3A_2, %dma_wait3A_1160] : memref<204800x128xf32, #tpu.memory_space<hbm>> -> memref<64x128xf32, #tpu.memory_space<hbm>>
      %dma_wait3A_1162 = arith.constant 0 : i32
      %dma_wait3A_1163 = arith.constant 0 : i32
      %dma_wait3A_1164 = tpu.memref_slice %arg6[%dma_wait3A_1153, %dma_wait3A_1162, %dma_wait3A_1163] : memref<10x64x128xf32, #tpu.memory_space<vmem>> -> memref<1x64x128xf32, #tpu.memory_space<vmem>>
      %dma_wait3A_1165 = tpu.memref_squeeze %dma_wait3A_1164 : memref<1x64x128xf32, #tpu.memory_space<vmem>> -> memref<64x128xf32, #tpu.memory_space<vmem>>
      tpu.wait_dma2 semaphore(%arg18 : memref<!tpu.dma_semaphore, #tpu.memory_space<semaphore_mem>>) src(%dma_wait3A_1165 : memref<64x128xf32, #tpu.memory_space<vmem>>) dst(%dma_wait3A_1161 : memref<64x128xf32, #tpu.memory_space<hbm>>)
      %add3A_1166 = arith.constant 1 : i32
      %add3A_1167 = arith.addi %mul3A_548, %add3A_1166 : i32
      %add3A_1168 = arith.constant 10 : i32
      %add3A_1169 = arith.addi %add3A_1167, %add3A_1168 : i32
      %jit3A_1170 = arith.constant 2 : i32
      %div3A_1171 = arith.divsi %add3A_1169, %jit3A_1170 : i32
      %sign3A_1172 = arith.constant 0 : i32
      %sign3A_1173 = arith.cmpi sgt, %add3A_1169, %sign3A_1172 : i32
      %sign3A_1174 = arith.extui %sign3A_1173 : i1 to i32
      %sign3A_1175 = arith.constant 0 : i32
      %sign3A_1176 = arith.cmpi slt, %add3A_1169, %sign3A_1175 : i32
      %sign3A_1177 = arith.extui %sign3A_1176 : i1 to i32
      %sign3A_1178 = arith.subi %sign3A_1174, %sign3A_1177 : i32
      %sign3A_1179 = arith.constant 0 : i32
      %sign3A_1180 = arith.cmpi sgt, %jit3A_1170, %sign3A_1179 : i32
      %sign3A_1181 = arith.extui %sign3A_1180 : i1 to i32
      %sign3A_1182 = arith.constant 0 : i32
      %sign3A_1183 = arith.cmpi slt, %jit3A_1170, %sign3A_1182 : i32
      %sign3A_1184 = arith.extui %sign3A_1183 : i1 to i32
      %sign3A_1185 = arith.subi %sign3A_1181, %sign3A_1184 : i32
      %ne3A_1186 = arith.cmpi ne, %sign3A_1178, %sign3A_1185 : i32
      %rem3A_1187 = arith.remsi %add3A_1169, %jit3A_1170 : i32
      %ne3A_1188 = arith.constant 0 : i32
      %ne3A_1189 = arith.cmpi ne, %rem3A_1187, %ne3A_1188 : i32
      %and3A_1190 = arith.andi %ne3A_1186, %ne3A_1189 : i1
      %sub3A_1191 = arith.constant 1 : i32
      %sub3A_1192 = arith.subi %div3A_1171, %sub3A_1191 : i32
      %select_n3A_1193 = arith.select %and3A_1190, %sub3A_1192, %div3A_1171 : i32
      %dma_start3A_1194 = arith.constant 1 : i32
      %dma_start3A_1195 = arith.constant 0 : i32
      %dma_start3A_1196 = arith.constant 0 : i32
      %dma_start3A_1197 = tpu.memref_slice %arg6[%dma_start3A_1194, %dma_start3A_1195, %dma_start3A_1196] : memref<10x64x128xf32, #tpu.memory_space<vmem>> -> memref<1x64x128xf32, #tpu.memory_space<vmem>>
      %dma_start3A_1198 = tpu.memref_squeeze %dma_start3A_1197 : memref<1x64x128xf32, #tpu.memory_space<vmem>> -> memref<64x128xf32, #tpu.memory_space<vmem>>
      %dma_start3A_1199 = arith.constant 64 : i32
      %dma_start3A_1200 = tpu.memref_slice %arg5[%select_n3A_1193, %dma_start3A_1199] : memref<50x128xi32, #tpu.memory_space<vmem>> -> memref<1x64xi32, #tpu.memory_space<vmem>>
      %dma_start3A_1201 = tpu.memref_squeeze %dma_start3A_1200 : memref<1x64xi32, #tpu.memory_space<vmem>> -> memref<64xi32, #tpu.memory_space<vmem>>
      %dma_start3A_1202 = arith.constant 0 : i32
      %dma_start3A_1203 = arith.constant 0 : i32
      %dma_start3A_1204 = tpu.memref_slice %arg3[%dma_start3A_1202, %dma_start3A_1203] : memref<100000x128xf32, #tpu.memory_space<hbm>> -> memref<100000x128xf32, #tpu.memory_space<hbm>>
      tpu.enqueue_indirect_dma source(%dma_start3A_1204 : memref<100000x128xf32, #tpu.memory_space<hbm>>) target(%dma_start3A_1198 : memref<64x128xf32, #tpu.memory_space<vmem>>) offsets(%dma_start3A_1201 : memref<64xi32, #tpu.memory_space<vmem>>) semaphore(%arg8 : memref<!tpu.dma_semaphore, #tpu.memory_space<semaphore_mem>>)
      %dma_wait3A_1205 = arith.constant 2 : i32
      %dma_wait3A_1206 = arith.constant 0 : i32
      %dma_wait3A_1207 = arith.constant 0 : i32
      %dma_wait3A_1208 = tpu.memref_slice %arg6[%dma_wait3A_1205, %dma_wait3A_1206, %dma_wait3A_1207] : memref<10x64x128xf32, #tpu.memory_space<vmem>> -> memref<1x64x128xf32, #tpu.memory_space<vmem>>
      %dma_wait3A_1209 = tpu.memref_squeeze %dma_wait3A_1208 : memref<1x64x128xf32, #tpu.memory_space<vmem>> -> memref<64x128xf32, #tpu.memory_space<vmem>>
      %dma_wait3A_1210 = arith.constant 0 : i32
      %dma_wait3A_1211 = tpu.memref_slice %arg4[%mul3A_2, %dma_wait3A_1210] : memref<204800x128xf32, #tpu.memory_space<hbm>> -> memref<64x128xf32, #tpu.memory_space<hbm>>
      %dma_wait3A_1212 = arith.constant 0 : i32
      %dma_wait3A_1213 = tpu.memref_slice %arg4[%mul3A_2, %dma_wait3A_1212] : memref<204800x128xf32, #tpu.memory_space<hbm>> -> memref<64x128xf32, #tpu.memory_space<hbm>>
      %dma_wait3A_1214 = arith.constant 0 : i32
      %dma_wait3A_1215 = arith.constant 0 : i32
      %dma_wait3A_1216 = tpu.memref_slice %arg6[%dma_wait3A_1205, %dma_wait3A_1214, %dma_wait3A_1215] : memref<10x64x128xf32, #tpu.memory_space<vmem>> -> memref<1x64x128xf32, #tpu.memory_space<vmem>>
      %dma_wait3A_1217 = tpu.memref_squeeze %dma_wait3A_1216 : memref<1x64x128xf32, #tpu.memory_space<vmem>> -> memref<64x128xf32, #tpu.memory_space<vmem>>
      tpu.wait_dma2 semaphore(%arg19 : memref<!tpu.dma_semaphore, #tpu.memory_space<semaphore_mem>>) src(%dma_wait3A_1217 : memref<64x128xf32, #tpu.memory_space<vmem>>) dst(%dma_wait3A_1213 : memref<64x128xf32, #tpu.memory_space<hbm>>)
      %add3A_1218 = arith.constant 2 : i32
      %add3A_1219 = arith.addi %mul3A_548, %add3A_1218 : i32
      %add3A_1220 = arith.constant 10 : i32
      %add3A_1221 = arith.addi %add3A_1219, %add3A_1220 : i32
      %jit3A_1222 = arith.constant 2 : i32
      %div3A_1223 = arith.divsi %add3A_1221, %jit3A_1222 : i32
      %sign3A_1224 = arith.constant 0 : i32
      %sign3A_1225 = arith.cmpi sgt, %add3A_1221, %sign3A_1224 : i32
      %sign3A_1226 = arith.extui %sign3A_1225 : i1 to i32
      %sign3A_1227 = arith.constant 0 : i32
      %sign3A_1228 = arith.cmpi slt, %add3A_1221, %sign3A_1227 : i32
      %sign3A_1229 = arith.extui %sign3A_1228 : i1 to i32
      %sign3A_1230 = arith.subi %sign3A_1226, %sign3A_1229 : i32
      %sign3A_1231 = arith.constant 0 : i32
      %sign3A_1232 = arith.cmpi sgt, %jit3A_1222, %sign3A_1231 : i32
      %sign3A_1233 = arith.extui %sign3A_1232 : i1 to i32
      %sign3A_1234 = arith.constant 0 : i32
      %sign3A_1235 = arith.cmpi slt, %jit3A_1222, %sign3A_1234 : i32
      %sign3A_1236 = arith.extui %sign3A_1235 : i1 to i32
      %sign3A_1237 = arith.subi %sign3A_1233, %sign3A_1236 : i32
      %ne3A_1238 = arith.cmpi ne, %sign3A_1230, %sign3A_1237 : i32
      %rem3A_1239 = arith.remsi %add3A_1221, %jit3A_1222 : i32
      %ne3A_1240 = arith.constant 0 : i32
      %ne3A_1241 = arith.cmpi ne, %rem3A_1239, %ne3A_1240 : i32
      %and3A_1242 = arith.andi %ne3A_1238, %ne3A_1241 : i1
      %sub3A_1243 = arith.constant 1 : i32
      %sub3A_1244 = arith.subi %div3A_1223, %sub3A_1243 : i32
      %select_n3A_1245 = arith.select %and3A_1242, %sub3A_1244, %div3A_1223 : i32
      %dma_start3A_1246 = arith.constant 2 : i32
      %dma_start3A_1247 = arith.constant 0 : i32
      %dma_start3A_1248 = arith.constant 0 : i32
      %dma_start3A_1249 = tpu.memref_slice %arg6[%dma_start3A_1246, %dma_start3A_1247, %dma_start3A_1248] : memref<10x64x128xf32, #tpu.memory_space<vmem>> -> memref<1x64x128xf32, #tpu.memory_space<vmem>>
      %dma_start3A_1250 = tpu.memref_squeeze %dma_start3A_1249 : memref<1x64x128xf32, #tpu.memory_space<vmem>> -> memref<64x128xf32, #tpu.memory_space<vmem>>
      %dma_start3A_1251 = arith.constant 0 : i32
      %dma_start3A_1252 = tpu.memref_slice %arg5[%select_n3A_1245, %dma_start3A_1251] : memref<50x128xi32, #tpu.memory_space<vmem>> -> memref<1x64xi32, #tpu.memory_space<vmem>>
      %dma_start3A_1253 = tpu.memref_squeeze %dma_start3A_1252 : memref<1x64xi32, #tpu.memory_space<vmem>> -> memref<64xi32, #tpu.memory_space<vmem>>
      %dma_start3A_1254 = arith.constant 0 : i32
      %dma_start3A_1255 = arith.constant 0 : i32
      %dma_start3A_1256 = tpu.memref_slice %arg3[%dma_start3A_1254, %dma_start3A_1255] : memref<100000x128xf32, #tpu.memory_space<hbm>> -> memref<100000x128xf32, #tpu.memory_space<hbm>>
      tpu.enqueue_indirect_dma source(%dma_start3A_1256 : memref<100000x128xf32, #tpu.memory_space<hbm>>) target(%dma_start3A_1250 : memref<64x128xf32, #tpu.memory_space<vmem>>) offsets(%dma_start3A_1253 : memref<64xi32, #tpu.memory_space<vmem>>) semaphore(%arg9 : memref<!tpu.dma_semaphore, #tpu.memory_space<semaphore_mem>>)
      %dma_wait3A_1257 = arith.constant 3 : i32
      %dma_wait3A_1258 = arith.constant 0 : i32
      %dma_wait3A_1259 = arith.constant 0 : i32
      %dma_wait3A_1260 = tpu.memref_slice %arg6[%dma_wait3A_1257, %dma_wait3A_1258, %dma_wait3A_1259] : memref<10x64x128xf32, #tpu.memory_space<vmem>> -> memref<1x64x128xf32, #tpu.memory_space<vmem>>
      %dma_wait3A_1261 = tpu.memref_squeeze %dma_wait3A_1260 : memref<1x64x128xf32, #tpu.memory_space<vmem>> -> memref<64x128xf32, #tpu.memory_space<vmem>>
      %dma_wait3A_1262 = arith.constant 0 : i32
      %dma_wait3A_1263 = tpu.memref_slice %arg4[%mul3A_2, %dma_wait3A_1262] : memref<204800x128xf32, #tpu.memory_space<hbm>> -> memref<64x128xf32, #tpu.memory_space<hbm>>
      %dma_wait3A_1264 = arith.constant 0 : i32
      %dma_wait3A_1265 = tpu.memref_slice %arg4[%mul3A_2, %dma_wait3A_1264] : memref<204800x128xf32, #tpu.memory_space<hbm>> -> memref<64x128xf32, #tpu.memory_space<hbm>>
      %dma_wait3A_1266 = arith.constant 0 : i32
      %dma_wait3A_1267 = arith.constant 0 : i32
      %dma_wait3A_1268 = tpu.memref_slice %arg6[%dma_wait3A_1257, %dma_wait3A_1266, %dma_wait3A_1267] : memref<10x64x128xf32, #tpu.memory_space<vmem>> -> memref<1x64x128xf32, #tpu.memory_space<vmem>>
      %dma_wait3A_1269 = tpu.memref_squeeze %dma_wait3A_1268 : memref<1x64x128xf32, #tpu.memory_space<vmem>> -> memref<64x128xf32, #tpu.memory_space<vmem>>
      tpu.wait_dma2 semaphore(%arg20 : memref<!tpu.dma_semaphore, #tpu.memory_space<semaphore_mem>>) src(%dma_wait3A_1269 : memref<64x128xf32, #tpu.memory_space<vmem>>) dst(%dma_wait3A_1265 : memref<64x128xf32, #tpu.memory_space<hbm>>)
      %add3A_1270 = arith.constant 3 : i32
      %add3A_1271 = arith.addi %mul3A_548, %add3A_1270 : i32
      %add3A_1272 = arith.constant 10 : i32
      %add3A_1273 = arith.addi %add3A_1271, %add3A_1272 : i32
      %jit3A_1274 = arith.constant 2 : i32
      %div3A_1275 = arith.divsi %add3A_1273, %jit3A_1274 : i32
      %sign3A_1276 = arith.constant 0 : i32
      %sign3A_1277 = arith.cmpi sgt, %add3A_1273, %sign3A_1276 : i32
      %sign3A_1278 = arith.extui %sign3A_1277 : i1 to i32
      %sign3A_1279 = arith.constant 0 : i32
      %sign3A_1280 = arith.cmpi slt, %add3A_1273, %sign3A_1279 : i32
      %sign3A_1281 = arith.extui %sign3A_1280 : i1 to i32
      %sign3A_1282 = arith.subi %sign3A_1278, %sign3A_1281 : i32
      %sign3A_1283 = arith.constant 0 : i32
      %sign3A_1284 = arith.cmpi sgt, %jit3A_1274, %sign3A_1283 : i32
      %sign3A_1285 = arith.extui %sign3A_1284 : i1 to i32
      %sign3A_1286 = arith.constant 0 : i32
      %sign3A_1287 = arith.cmpi slt, %jit3A_1274, %sign3A_1286 : i32
      %sign3A_1288 = arith.extui %sign3A_1287 : i1 to i32
      %sign3A_1289 = arith.subi %sign3A_1285, %sign3A_1288 : i32
      %ne3A_1290 = arith.cmpi ne, %sign3A_1282, %sign3A_1289 : i32
      %rem3A_1291 = arith.remsi %add3A_1273, %jit3A_1274 : i32
      %ne3A_1292 = arith.constant 0 : i32
      %ne3A_1293 = arith.cmpi ne, %rem3A_1291, %ne3A_1292 : i32
      %and3A_1294 = arith.andi %ne3A_1290, %ne3A_1293 : i1
      %sub3A_1295 = arith.constant 1 : i32
      %sub3A_1296 = arith.subi %div3A_1275, %sub3A_1295 : i32
      %select_n3A_1297 = arith.select %and3A_1294, %sub3A_1296, %div3A_1275 : i32
      %dma_start3A_1298 = arith.constant 3 : i32
      %dma_start3A_1299 = arith.constant 0 : i32
      %dma_start3A_1300 = arith.constant 0 : i32
      %dma_start3A_1301 = tpu.memref_slice %arg6[%dma_start3A_1298, %dma_start3A_1299, %dma_start3A_1300] : memref<10x64x128xf32, #tpu.memory_space<vmem>> -> memref<1x64x128xf32, #tpu.memory_space<vmem>>
      %dma_start3A_1302 = tpu.memref_squeeze %dma_start3A_1301 : memref<1x64x128xf32, #tpu.memory_space<vmem>> -> memref<64x128xf32, #tpu.memory_space<vmem>>
      %dma_start3A_1303 = arith.constant 64 : i32
      %dma_start3A_1304 = tpu.memref_slice %arg5[%select_n3A_1297, %dma_start3A_1303] : memref<50x128xi32, #tpu.memory_space<vmem>> -> memref<1x64xi32, #tpu.memory_space<vmem>>
      %dma_start3A_1305 = tpu.memref_squeeze %dma_start3A_1304 : memref<1x64xi32, #tpu.memory_space<vmem>> -> memref<64xi32, #tpu.memory_space<vmem>>
      %dma_start3A_1306 = arith.constant 0 : i32
      %dma_start3A_1307 = arith.constant 0 : i32
      %dma_start3A_1308 = tpu.memref_slice %arg3[%dma_start3A_1306, %dma_start3A_1307] : memref<100000x128xf32, #tpu.memory_space<hbm>> -> memref<100000x128xf32, #tpu.memory_space<hbm>>
      tpu.enqueue_indirect_dma source(%dma_start3A_1308 : memref<100000x128xf32, #tpu.memory_space<hbm>>) target(%dma_start3A_1302 : memref<64x128xf32, #tpu.memory_space<vmem>>) offsets(%dma_start3A_1305 : memref<64xi32, #tpu.memory_space<vmem>>) semaphore(%arg10 : memref<!tpu.dma_semaphore, #tpu.memory_space<semaphore_mem>>)
      %dma_wait3A_1309 = arith.constant 4 : i32
      %dma_wait3A_1310 = arith.constant 0 : i32
      %dma_wait3A_1311 = arith.constant 0 : i32
      %dma_wait3A_1312 = tpu.memref_slice %arg6[%dma_wait3A_1309, %dma_wait3A_1310, %dma_wait3A_1311] : memref<10x64x128xf32, #tpu.memory_space<vmem>> -> memref<1x64x128xf32, #tpu.memory_space<vmem>>
      %dma_wait3A_1313 = tpu.memref_squeeze %dma_wait3A_1312 : memref<1x64x128xf32, #tpu.memory_space<vmem>> -> memref<64x128xf32, #tpu.memory_space<vmem>>
      %dma_wait3A_1314 = arith.constant 0 : i32
      %dma_wait3A_1315 = tpu.memref_slice %arg4[%mul3A_2, %dma_wait3A_1314] : memref<204800x128xf32, #tpu.memory_space<hbm>> -> memref<64x128xf32, #tpu.memory_space<hbm>>
      %dma_wait3A_1316 = arith.constant 0 : i32
      %dma_wait3A_1317 = tpu.memref_slice %arg4[%mul3A_2, %dma_wait3A_1316] : memref<204800x128xf32, #tpu.memory_space<hbm>> -> memref<64x128xf32, #tpu.memory_space<hbm>>
      %dma_wait3A_1318 = arith.constant 0 : i32
      %dma_wait3A_1319 = arith.constant 0 : i32
      %dma_wait3A_1320 = tpu.memref_slice %arg6[%dma_wait3A_1309, %dma_wait3A_1318, %dma_wait3A_1319] : memref<10x64x128xf32, #tpu.memory_space<vmem>> -> memref<1x64x128xf32, #tpu.memory_space<vmem>>
      %dma_wait3A_1321 = tpu.memref_squeeze %dma_wait3A_1320 : memref<1x64x128xf32, #tpu.memory_space<vmem>> -> memref<64x128xf32, #tpu.memory_space<vmem>>
      tpu.wait_dma2 semaphore(%arg21 : memref<!tpu.dma_semaphore, #tpu.memory_space<semaphore_mem>>) src(%dma_wait3A_1321 : memref<64x128xf32, #tpu.memory_space<vmem>>) dst(%dma_wait3A_1317 : memref<64x128xf32, #tpu.memory_space<hbm>>)
      %add3A_1322 = arith.constant 4 : i32
      %add3A_1323 = arith.addi %mul3A_548, %add3A_1322 : i32
      %add3A_1324 = arith.constant 10 : i32
      %add3A_1325 = arith.addi %add3A_1323, %add3A_1324 : i32
      %jit3A_1326 = arith.constant 2 : i32
      %div3A_1327 = arith.divsi %add3A_1325, %jit3A_1326 : i32
      %sign3A_1328 = arith.constant 0 : i32
      %sign3A_1329 = arith.cmpi sgt, %add3A_1325, %sign3A_1328 : i32
      %sign3A_1330 = arith.extui %sign3A_1329 : i1 to i32
      %sign3A_1331 = arith.constant 0 : i32
      %sign3A_1332 = arith.cmpi slt, %add3A_1325, %sign3A_1331 : i32
      %sign3A_1333 = arith.extui %sign3A_1332 : i1 to i32
      %sign3A_1334 = arith.subi %sign3A_1330, %sign3A_1333 : i32
      %sign3A_1335 = arith.constant 0 : i32
      %sign3A_1336 = arith.cmpi sgt, %jit3A_1326, %sign3A_1335 : i32
      %sign3A_1337 = arith.extui %sign3A_1336 : i1 to i32
      %sign3A_1338 = arith.constant 0 : i32
      %sign3A_1339 = arith.cmpi slt, %jit3A_1326, %sign3A_1338 : i32
      %sign3A_1340 = arith.extui %sign3A_1339 : i1 to i32
      %sign3A_1341 = arith.subi %sign3A_1337, %sign3A_1340 : i32
      %ne3A_1342 = arith.cmpi ne, %sign3A_1334, %sign3A_1341 : i32
      %rem3A_1343 = arith.remsi %add3A_1325, %jit3A_1326 : i32
      %ne3A_1344 = arith.constant 0 : i32
      %ne3A_1345 = arith.cmpi ne, %rem3A_1343, %ne3A_1344 : i32
      %and3A_1346 = arith.andi %ne3A_1342, %ne3A_1345 : i1
      %sub3A_1347 = arith.constant 1 : i32
      %sub3A_1348 = arith.subi %div3A_1327, %sub3A_1347 : i32
      %select_n3A_1349 = arith.select %and3A_1346, %sub3A_1348, %div3A_1327 : i32
      %dma_start3A_1350 = arith.constant 4 : i32
      %dma_start3A_1351 = arith.constant 0 : i32
      %dma_start3A_1352 = arith.constant 0 : i32
      %dma_start3A_1353 = tpu.memref_slice %arg6[%dma_start3A_1350, %dma_start3A_1351, %dma_start3A_1352] : memref<10x64x128xf32, #tpu.memory_space<vmem>> -> memref<1x64x128xf32, #tpu.memory_space<vmem>>
      %dma_start3A_1354 = tpu.memref_squeeze %dma_start3A_1353 : memref<1x64x128xf32, #tpu.memory_space<vmem>> -> memref<64x128xf32, #tpu.memory_space<vmem>>
      %dma_start3A_1355 = arith.constant 0 : i32
      %dma_start3A_1356 = tpu.memref_slice %arg5[%select_n3A_1349, %dma_start3A_1355] : memref<50x128xi32, #tpu.memory_space<vmem>> -> memref<1x64xi32, #tpu.memory_space<vmem>>
      %dma_start3A_1357 = tpu.memref_squeeze %dma_start3A_1356 : memref<1x64xi32, #tpu.memory_space<vmem>> -> memref<64xi32, #tpu.memory_space<vmem>>
      %dma_start3A_1358 = arith.constant 0 : i32
      %dma_start3A_1359 = arith.constant 0 : i32
      %dma_start3A_1360 = tpu.memref_slice %arg3[%dma_start3A_1358, %dma_start3A_1359] : memref<100000x128xf32, #tpu.memory_space<hbm>> -> memref<100000x128xf32, #tpu.memory_space<hbm>>
      tpu.enqueue_indirect_dma source(%dma_start3A_1360 : memref<100000x128xf32, #tpu.memory_space<hbm>>) target(%dma_start3A_1354 : memref<64x128xf32, #tpu.memory_space<vmem>>) offsets(%dma_start3A_1357 : memref<64xi32, #tpu.memory_space<vmem>>) semaphore(%arg11 : memref<!tpu.dma_semaphore, #tpu.memory_space<semaphore_mem>>)
      %dma_wait3A_1361 = arith.constant 5 : i32
      %dma_wait3A_1362 = arith.constant 0 : i32
      %dma_wait3A_1363 = arith.constant 0 : i32
      %dma_wait3A_1364 = tpu.memref_slice %arg6[%dma_wait3A_1361, %dma_wait3A_1362, %dma_wait3A_1363] : memref<10x64x128xf32, #tpu.memory_space<vmem>> -> memref<1x64x128xf32, #tpu.memory_space<vmem>>
      %dma_wait3A_1365 = tpu.memref_squeeze %dma_wait3A_1364 : memref<1x64x128xf32, #tpu.memory_space<vmem>> -> memref<64x128xf32, #tpu.memory_space<vmem>>
      %dma_wait3A_1366 = arith.constant 0 : i32
      %dma_wait3A_1367 = tpu.memref_slice %arg4[%mul3A_2, %dma_wait3A_1366] : memref<204800x128xf32, #tpu.memory_space<hbm>> -> memref<64x128xf32, #tpu.memory_space<hbm>>
      %dma_wait3A_1368 = arith.constant 0 : i32
      %dma_wait3A_1369 = tpu.memref_slice %arg4[%mul3A_2, %dma_wait3A_1368] : memref<204800x128xf32, #tpu.memory_space<hbm>> -> memref<64x128xf32, #tpu.memory_space<hbm>>
      %dma_wait3A_1370 = arith.constant 0 : i32
      %dma_wait3A_1371 = arith.constant 0 : i32
      %dma_wait3A_1372 = tpu.memref_slice %arg6[%dma_wait3A_1361, %dma_wait3A_1370, %dma_wait3A_1371] : memref<10x64x128xf32, #tpu.memory_space<vmem>> -> memref<1x64x128xf32, #tpu.memory_space<vmem>>
      %dma_wait3A_1373 = tpu.memref_squeeze %dma_wait3A_1372 : memref<1x64x128xf32, #tpu.memory_space<vmem>> -> memref<64x128xf32, #tpu.memory_space<vmem>>
      tpu.wait_dma2 semaphore(%arg22 : memref<!tpu.dma_semaphore, #tpu.memory_space<semaphore_mem>>) src(%dma_wait3A_1373 : memref<64x128xf32, #tpu.memory_space<vmem>>) dst(%dma_wait3A_1369 : memref<64x128xf32, #tpu.memory_space<hbm>>)
      %add3A_1374 = arith.constant 5 : i32
      %add3A_1375 = arith.addi %mul3A_548, %add3A_1374 : i32
      %add3A_1376 = arith.constant 10 : i32
      %add3A_1377 = arith.addi %add3A_1375, %add3A_1376 : i32
      %jit3A_1378 = arith.constant 2 : i32
      %div3A_1379 = arith.divsi %add3A_1377, %jit3A_1378 : i32
      %sign3A_1380 = arith.constant 0 : i32
      %sign3A_1381 = arith.cmpi sgt, %add3A_1377, %sign3A_1380 : i32
      %sign3A_1382 = arith.extui %sign3A_1381 : i1 to i32
      %sign3A_1383 = arith.constant 0 : i32
      %sign3A_1384 = arith.cmpi slt, %add3A_1377, %sign3A_1383 : i32
      %sign3A_1385 = arith.extui %sign3A_1384 : i1 to i32
      %sign3A_1386 = arith.subi %sign3A_1382, %sign3A_1385 : i32
      %sign3A_1387 = arith.constant 0 : i32
      %sign3A_1388 = arith.cmpi sgt, %jit3A_1378, %sign3A_1387 : i32
      %sign3A_1389 = arith.extui %sign3A_1388 : i1 to i32
      %sign3A_1390 = arith.constant 0 : i32
      %sign3A_1391 = arith.cmpi slt, %jit3A_1378, %sign3A_1390 : i32
      %sign3A_1392 = arith.extui %sign3A_1391 : i1 to i32
      %sign3A_1393 = arith.subi %sign3A_1389, %sign3A_1392 : i32
      %ne3A_1394 = arith.cmpi ne, %sign3A_1386, %sign3A_1393 : i32
      %rem3A_1395 = arith.remsi %add3A_1377, %jit3A_1378 : i32
      %ne3A_1396 = arith.constant 0 : i32
      %ne3A_1397 = arith.cmpi ne, %rem3A_1395, %ne3A_1396 : i32
      %and3A_1398 = arith.andi %ne3A_1394, %ne3A_1397 : i1
      %sub3A_1399 = arith.constant 1 : i32
      %sub3A_1400 = arith.subi %div3A_1379, %sub3A_1399 : i32
      %select_n3A_1401 = arith.select %and3A_1398, %sub3A_1400, %div3A_1379 : i32
      %dma_start3A_1402 = arith.constant 5 : i32
      %dma_start3A_1403 = arith.constant 0 : i32
      %dma_start3A_1404 = arith.constant 0 : i32
      %dma_start3A_1405 = tpu.memref_slice %arg6[%dma_start3A_1402, %dma_start3A_1403, %dma_start3A_1404] : memref<10x64x128xf32, #tpu.memory_space<vmem>> -> memref<1x64x128xf32, #tpu.memory_space<vmem>>
      %dma_start3A_1406 = tpu.memref_squeeze %dma_start3A_1405 : memref<1x64x128xf32, #tpu.memory_space<vmem>> -> memref<64x128xf32, #tpu.memory_space<vmem>>
      %dma_start3A_1407 = arith.constant 64 : i32
      %dma_start3A_1408 = tpu.memref_slice %arg5[%select_n3A_1401, %dma_start3A_1407] : memref<50x128xi32, #tpu.memory_space<vmem>> -> memref<1x64xi32, #tpu.memory_space<vmem>>
      %dma_start3A_1409 = tpu.memref_squeeze %dma_start3A_1408 : memref<1x64xi32, #tpu.memory_space<vmem>> -> memref<64xi32, #tpu.memory_space<vmem>>
      %dma_start3A_1410 = arith.constant 0 : i32
      %dma_start3A_1411 = arith.constant 0 : i32
      %dma_start3A_1412 = tpu.memref_slice %arg3[%dma_start3A_1410, %dma_start3A_1411] : memref<100000x128xf32, #tpu.memory_space<hbm>> -> memref<100000x128xf32, #tpu.memory_space<hbm>>
      tpu.enqueue_indirect_dma source(%dma_start3A_1412 : memref<100000x128xf32, #tpu.memory_space<hbm>>) target(%dma_start3A_1406 : memref<64x128xf32, #tpu.memory_space<vmem>>) offsets(%dma_start3A_1409 : memref<64xi32, #tpu.memory_space<vmem>>) semaphore(%arg12 : memref<!tpu.dma_semaphore, #tpu.memory_space<semaphore_mem>>)
      %dma_wait3A_1413 = arith.constant 6 : i32
      %dma_wait3A_1414 = arith.constant 0 : i32
      %dma_wait3A_1415 = arith.constant 0 : i32
      %dma_wait3A_1416 = tpu.memref_slice %arg6[%dma_wait3A_1413, %dma_wait3A_1414, %dma_wait3A_1415] : memref<10x64x128xf32, #tpu.memory_space<vmem>> -> memref<1x64x128xf32, #tpu.memory_space<vmem>>
      %dma_wait3A_1417 = tpu.memref_squeeze %dma_wait3A_1416 : memref<1x64x128xf32, #tpu.memory_space<vmem>> -> memref<64x128xf32, #tpu.memory_space<vmem>>
      %dma_wait3A_1418 = arith.constant 0 : i32
      %dma_wait3A_1419 = tpu.memref_slice %arg4[%mul3A_2, %dma_wait3A_1418] : memref<204800x128xf32, #tpu.memory_space<hbm>> -> memref<64x128xf32, #tpu.memory_space<hbm>>
      %dma_wait3A_1420 = arith.constant 0 : i32
      %dma_wait3A_1421 = tpu.memref_slice %arg4[%mul3A_2, %dma_wait3A_1420] : memref<204800x128xf32, #tpu.memory_space<hbm>> -> memref<64x128xf32, #tpu.memory_space<hbm>>
      %dma_wait3A_1422 = arith.constant 0 : i32
      %dma_wait3A_1423 = arith.constant 0 : i32
      %dma_wait3A_1424 = tpu.memref_slice %arg6[%dma_wait3A_1413, %dma_wait3A_1422, %dma_wait3A_1423] : memref<10x64x128xf32, #tpu.memory_space<vmem>> -> memref<1x64x128xf32, #tpu.memory_space<vmem>>
      %dma_wait3A_1425 = tpu.memref_squeeze %dma_wait3A_1424 : memref<1x64x128xf32, #tpu.memory_space<vmem>> -> memref<64x128xf32, #tpu.memory_space<vmem>>
      tpu.wait_dma2 semaphore(%arg23 : memref<!tpu.dma_semaphore, #tpu.memory_space<semaphore_mem>>) src(%dma_wait3A_1425 : memref<64x128xf32, #tpu.memory_space<vmem>>) dst(%dma_wait3A_1421 : memref<64x128xf32, #tpu.memory_space<hbm>>)
      %add3A_1426 = arith.constant 6 : i32
      %add3A_1427 = arith.addi %mul3A_548, %add3A_1426 : i32
      %add3A_1428 = arith.constant 10 : i32
      %add3A_1429 = arith.addi %add3A_1427, %add3A_1428 : i32
      %jit3A_1430 = arith.constant 2 : i32
      %div3A_1431 = arith.divsi %add3A_1429, %jit3A_1430 : i32
      %sign3A_1432 = arith.constant 0 : i32
      %sign3A_1433 = arith.cmpi sgt, %add3A_1429, %sign3A_1432 : i32
      %sign3A_1434 = arith.extui %sign3A_1433 : i1 to i32
      %sign3A_1435 = arith.constant 0 : i32
      %sign3A_1436 = arith.cmpi slt, %add3A_1429, %sign3A_1435 : i32
      %sign3A_1437 = arith.extui %sign3A_1436 : i1 to i32
      %sign3A_1438 = arith.subi %sign3A_1434, %sign3A_1437 : i32
      %sign3A_1439 = arith.constant 0 : i32
      %sign3A_1440 = arith.cmpi sgt, %jit3A_1430, %sign3A_1439 : i32
      %sign3A_1441 = arith.extui %sign3A_1440 : i1 to i32
      %sign3A_1442 = arith.constant 0 : i32
      %sign3A_1443 = arith.cmpi slt, %jit3A_1430, %sign3A_1442 : i32
      %sign3A_1444 = arith.extui %sign3A_1443 : i1 to i32
      %sign3A_1445 = arith.subi %sign3A_1441, %sign3A_1444 : i32
      %ne3A_1446 = arith.cmpi ne, %sign3A_1438, %sign3A_1445 : i32
      %rem3A_1447 = arith.remsi %add3A_1429, %jit3A_1430 : i32
      %ne3A_1448 = arith.constant 0 : i32
      %ne3A_1449 = arith.cmpi ne, %rem3A_1447, %ne3A_1448 : i32
      %and3A_1450 = arith.andi %ne3A_1446, %ne3A_1449 : i1
      %sub3A_1451 = arith.constant 1 : i32
      %sub3A_1452 = arith.subi %div3A_1431, %sub3A_1451 : i32
      %select_n3A_1453 = arith.select %and3A_1450, %sub3A_1452, %div3A_1431 : i32
      %dma_start3A_1454 = arith.constant 6 : i32
      %dma_start3A_1455 = arith.constant 0 : i32
      %dma_start3A_1456 = arith.constant 0 : i32
      %dma_start3A_1457 = tpu.memref_slice %arg6[%dma_start3A_1454, %dma_start3A_1455, %dma_start3A_1456] : memref<10x64x128xf32, #tpu.memory_space<vmem>> -> memref<1x64x128xf32, #tpu.memory_space<vmem>>
      %dma_start3A_1458 = tpu.memref_squeeze %dma_start3A_1457 : memref<1x64x128xf32, #tpu.memory_space<vmem>> -> memref<64x128xf32, #tpu.memory_space<vmem>>
      %dma_start3A_1459 = arith.constant 0 : i32
      %dma_start3A_1460 = tpu.memref_slice %arg5[%select_n3A_1453, %dma_start3A_1459] : memref<50x128xi32, #tpu.memory_space<vmem>> -> memref<1x64xi32, #tpu.memory_space<vmem>>
      %dma_start3A_1461 = tpu.memref_squeeze %dma_start3A_1460 : memref<1x64xi32, #tpu.memory_space<vmem>> -> memref<64xi32, #tpu.memory_space<vmem>>
      %dma_start3A_1462 = arith.constant 0 : i32
      %dma_start3A_1463 = arith.constant 0 : i32
      %dma_start3A_1464 = tpu.memref_slice %arg3[%dma_start3A_1462, %dma_start3A_1463] : memref<100000x128xf32, #tpu.memory_space<hbm>> -> memref<100000x128xf32, #tpu.memory_space<hbm>>
      tpu.enqueue_indirect_dma source(%dma_start3A_1464 : memref<100000x128xf32, #tpu.memory_space<hbm>>) target(%dma_start3A_1458 : memref<64x128xf32, #tpu.memory_space<vmem>>) offsets(%dma_start3A_1461 : memref<64xi32, #tpu.memory_space<vmem>>) semaphore(%arg13 : memref<!tpu.dma_semaphore, #tpu.memory_space<semaphore_mem>>)
      %dma_wait3A_1465 = arith.constant 7 : i32
      %dma_wait3A_1466 = arith.constant 0 : i32
      %dma_wait3A_1467 = arith.constant 0 : i32
      %dma_wait3A_1468 = tpu.memref_slice %arg6[%dma_wait3A_1465, %dma_wait3A_1466, %dma_wait3A_1467] : memref<10x64x128xf32, #tpu.memory_space<vmem>> -> memref<1x64x128xf32, #tpu.memory_space<vmem>>
      %dma_wait3A_1469 = tpu.memref_squeeze %dma_wait3A_1468 : memref<1x64x128xf32, #tpu.memory_space<vmem>> -> memref<64x128xf32, #tpu.memory_space<vmem>>
      %dma_wait3A_1470 = arith.constant 0 : i32
      %dma_wait3A_1471 = tpu.memref_slice %arg4[%mul3A_2, %dma_wait3A_1470] : memref<204800x128xf32, #tpu.memory_space<hbm>> -> memref<64x128xf32, #tpu.memory_space<hbm>>
      %dma_wait3A_1472 = arith.constant 0 : i32
      %dma_wait3A_1473 = tpu.memref_slice %arg4[%mul3A_2, %dma_wait3A_1472] : memref<204800x128xf32, #tpu.memory_space<hbm>> -> memref<64x128xf32, #tpu.memory_space<hbm>>
      %dma_wait3A_1474 = arith.constant 0 : i32
      %dma_wait3A_1475 = arith.constant 0 : i32
      %dma_wait3A_1476 = tpu.memref_slice %arg6[%dma_wait3A_1465, %dma_wait3A_1474, %dma_wait3A_1475] : memref<10x64x128xf32, #tpu.memory_space<vmem>> -> memref<1x64x128xf32, #tpu.memory_space<vmem>>
      %dma_wait3A_1477 = tpu.memref_squeeze %dma_wait3A_1476 : memref<1x64x128xf32, #tpu.memory_space<vmem>> -> memref<64x128xf32, #tpu.memory_space<vmem>>
      tpu.wait_dma2 semaphore(%arg24 : memref<!tpu.dma_semaphore, #tpu.memory_space<semaphore_mem>>) src(%dma_wait3A_1477 : memref<64x128xf32, #tpu.memory_space<vmem>>) dst(%dma_wait3A_1473 : memref<64x128xf32, #tpu.memory_space<hbm>>)
      %add3A_1478 = arith.constant 7 : i32
      %add3A_1479 = arith.addi %mul3A_548, %add3A_1478 : i32
      %add3A_1480 = arith.constant 10 : i32
      %add3A_1481 = arith.addi %add3A_1479, %add3A_1480 : i32
      %jit3A_1482 = arith.constant 2 : i32
      %div3A_1483 = arith.divsi %add3A_1481, %jit3A_1482 : i32
      %sign3A_1484 = arith.constant 0 : i32
      %sign3A_1485 = arith.cmpi sgt, %add3A_1481, %sign3A_1484 : i32
      %sign3A_1486 = arith.extui %sign3A_1485 : i1 to i32
      %sign3A_1487 = arith.constant 0 : i32
      %sign3A_1488 = arith.cmpi slt, %add3A_1481, %sign3A_1487 : i32
      %sign3A_1489 = arith.extui %sign3A_1488 : i1 to i32
      %sign3A_1490 = arith.subi %sign3A_1486, %sign3A_1489 : i32
      %sign3A_1491 = arith.constant 0 : i32
      %sign3A_1492 = arith.cmpi sgt, %jit3A_1482, %sign3A_1491 : i32
      %sign3A_1493 = arith.extui %sign3A_1492 : i1 to i32
      %sign3A_1494 = arith.constant 0 : i32
      %sign3A_1495 = arith.cmpi slt, %jit3A_1482, %sign3A_1494 : i32
      %sign3A_1496 = arith.extui %sign3A_1495 : i1 to i32
      %sign3A_1497 = arith.subi %sign3A_1493, %sign3A_1496 : i32
      %ne3A_1498 = arith.cmpi ne, %sign3A_1490, %sign3A_1497 : i32
      %rem3A_1499 = arith.remsi %add3A_1481, %jit3A_1482 : i32
      %ne3A_1500 = arith.constant 0 : i32
      %ne3A_1501 = arith.cmpi ne, %rem3A_1499, %ne3A_1500 : i32
      %and3A_1502 = arith.andi %ne3A_1498, %ne3A_1501 : i1
      %sub3A_1503 = arith.constant 1 : i32
      %sub3A_1504 = arith.subi %div3A_1483, %sub3A_1503 : i32
      %select_n3A_1505 = arith.select %and3A_1502, %sub3A_1504, %div3A_1483 : i32
      %dma_start3A_1506 = arith.constant 7 : i32
      %dma_start3A_1507 = arith.constant 0 : i32
      %dma_start3A_1508 = arith.constant 0 : i32
      %dma_start3A_1509 = tpu.memref_slice %arg6[%dma_start3A_1506, %dma_start3A_1507, %dma_start3A_1508] : memref<10x64x128xf32, #tpu.memory_space<vmem>> -> memref<1x64x128xf32, #tpu.memory_space<vmem>>
      %dma_start3A_1510 = tpu.memref_squeeze %dma_start3A_1509 : memref<1x64x128xf32, #tpu.memory_space<vmem>> -> memref<64x128xf32, #tpu.memory_space<vmem>>
      %dma_start3A_1511 = arith.constant 64 : i32
      %dma_start3A_1512 = tpu.memref_slice %arg5[%select_n3A_1505, %dma_start3A_1511] : memref<50x128xi32, #tpu.memory_space<vmem>> -> memref<1x64xi32, #tpu.memory_space<vmem>>
      %dma_start3A_1513 = tpu.memref_squeeze %dma_start3A_1512 : memref<1x64xi32, #tpu.memory_space<vmem>> -> memref<64xi32, #tpu.memory_space<vmem>>
      %dma_start3A_1514 = arith.constant 0 : i32
      %dma_start3A_1515 = arith.constant 0 : i32
      %dma_start3A_1516 = tpu.memref_slice %arg3[%dma_start3A_1514, %dma_start3A_1515] : memref<100000x128xf32, #tpu.memory_space<hbm>> -> memref<100000x128xf32, #tpu.memory_space<hbm>>
      tpu.enqueue_indirect_dma source(%dma_start3A_1516 : memref<100000x128xf32, #tpu.memory_space<hbm>>) target(%dma_start3A_1510 : memref<64x128xf32, #tpu.memory_space<vmem>>) offsets(%dma_start3A_1513 : memref<64xi32, #tpu.memory_space<vmem>>) semaphore(%arg14 : memref<!tpu.dma_semaphore, #tpu.memory_space<semaphore_mem>>)
      %dma_wait3A_1517 = arith.constant 8 : i32
      %dma_wait3A_1518 = arith.constant 0 : i32
      %dma_wait3A_1519 = arith.constant 0 : i32
      %dma_wait3A_1520 = tpu.memref_slice %arg6[%dma_wait3A_1517, %dma_wait3A_1518, %dma_wait3A_1519] : memref<10x64x128xf32, #tpu.memory_space<vmem>> -> memref<1x64x128xf32, #tpu.memory_space<vmem>>
      %dma_wait3A_1521 = tpu.memref_squeeze %dma_wait3A_1520 : memref<1x64x128xf32, #tpu.memory_space<vmem>> -> memref<64x128xf32, #tpu.memory_space<vmem>>
      %dma_wait3A_1522 = arith.constant 0 : i32
      %dma_wait3A_1523 = tpu.memref_slice %arg4[%mul3A_2, %dma_wait3A_1522] : memref<204800x128xf32, #tpu.memory_space<hbm>> -> memref<64x128xf32, #tpu.memory_space<hbm>>
      %dma_wait3A_1524 = arith.constant 0 : i32
      %dma_wait3A_1525 = tpu.memref_slice %arg4[%mul3A_2, %dma_wait3A_1524] : memref<204800x128xf32, #tpu.memory_space<hbm>> -> memref<64x128xf32, #tpu.memory_space<hbm>>
      %dma_wait3A_1526 = arith.constant 0 : i32
      %dma_wait3A_1527 = arith.constant 0 : i32
      %dma_wait3A_1528 = tpu.memref_slice %arg6[%dma_wait3A_1517, %dma_wait3A_1526, %dma_wait3A_1527] : memref<10x64x128xf32, #tpu.memory_space<vmem>> -> memref<1x64x128xf32, #tpu.memory_space<vmem>>
      %dma_wait3A_1529 = tpu.memref_squeeze %dma_wait3A_1528 : memref<1x64x128xf32, #tpu.memory_space<vmem>> -> memref<64x128xf32, #tpu.memory_space<vmem>>
      tpu.wait_dma2 semaphore(%arg25 : memref<!tpu.dma_semaphore, #tpu.memory_space<semaphore_mem>>) src(%dma_wait3A_1529 : memref<64x128xf32, #tpu.memory_space<vmem>>) dst(%dma_wait3A_1525 : memref<64x128xf32, #tpu.memory_space<hbm>>)
      %add3A_1530 = arith.constant 8 : i32
      %add3A_1531 = arith.addi %mul3A_548, %add3A_1530 : i32
      %add3A_1532 = arith.constant 10 : i32
      %add3A_1533 = arith.addi %add3A_1531, %add3A_1532 : i32
      %jit3A_1534 = arith.constant 2 : i32
      %div3A_1535 = arith.divsi %add3A_1533, %jit3A_1534 : i32
      %sign3A_1536 = arith.constant 0 : i32
      %sign3A_1537 = arith.cmpi sgt, %add3A_1533, %sign3A_1536 : i32
      %sign3A_1538 = arith.extui %sign3A_1537 : i1 to i32
      %sign3A_1539 = arith.constant 0 : i32
      %sign3A_1540 = arith.cmpi slt, %add3A_1533, %sign3A_1539 : i32
      %sign3A_1541 = arith.extui %sign3A_1540 : i1 to i32
      %sign3A_1542 = arith.subi %sign3A_1538, %sign3A_1541 : i32
      %sign3A_1543 = arith.constant 0 : i32
      %sign3A_1544 = arith.cmpi sgt, %jit3A_1534, %sign3A_1543 : i32
      %sign3A_1545 = arith.extui %sign3A_1544 : i1 to i32
      %sign3A_1546 = arith.constant 0 : i32
      %sign3A_1547 = arith.cmpi slt, %jit3A_1534, %sign3A_1546 : i32
      %sign3A_1548 = arith.extui %sign3A_1547 : i1 to i32
      %sign3A_1549 = arith.subi %sign3A_1545, %sign3A_1548 : i32
      %ne3A_1550 = arith.cmpi ne, %sign3A_1542, %sign3A_1549 : i32
      %rem3A_1551 = arith.remsi %add3A_1533, %jit3A_1534 : i32
      %ne3A_1552 = arith.constant 0 : i32
      %ne3A_1553 = arith.cmpi ne, %rem3A_1551, %ne3A_1552 : i32
      %and3A_1554 = arith.andi %ne3A_1550, %ne3A_1553 : i1
      %sub3A_1555 = arith.constant 1 : i32
      %sub3A_1556 = arith.subi %div3A_1535, %sub3A_1555 : i32
      %select_n3A_1557 = arith.select %and3A_1554, %sub3A_1556, %div3A_1535 : i32
      %dma_start3A_1558 = arith.constant 8 : i32
      %dma_start3A_1559 = arith.constant 0 : i32
      %dma_start3A_1560 = arith.constant 0 : i32
      %dma_start3A_1561 = tpu.memref_slice %arg6[%dma_start3A_1558, %dma_start3A_1559, %dma_start3A_1560] : memref<10x64x128xf32, #tpu.memory_space<vmem>> -> memref<1x64x128xf32, #tpu.memory_space<vmem>>
      %dma_start3A_1562 = tpu.memref_squeeze %dma_start3A_1561 : memref<1x64x128xf32, #tpu.memory_space<vmem>> -> memref<64x128xf32, #tpu.memory_space<vmem>>
      %dma_start3A_1563 = arith.constant 0 : i32
      %dma_start3A_1564 = tpu.memref_slice %arg5[%select_n3A_1557, %dma_start3A_1563] : memref<50x128xi32, #tpu.memory_space<vmem>> -> memref<1x64xi32, #tpu.memory_space<vmem>>
      %dma_start3A_1565 = tpu.memref_squeeze %dma_start3A_1564 : memref<1x64xi32, #tpu.memory_space<vmem>> -> memref<64xi32, #tpu.memory_space<vmem>>
      %dma_start3A_1566 = arith.constant 0 : i32
      %dma_start3A_1567 = arith.constant 0 : i32
      %dma_start3A_1568 = tpu.memref_slice %arg3[%dma_start3A_1566, %dma_start3A_1567] : memref<100000x128xf32, #tpu.memory_space<hbm>> -> memref<100000x128xf32, #tpu.memory_space<hbm>>
      tpu.enqueue_indirect_dma source(%dma_start3A_1568 : memref<100000x128xf32, #tpu.memory_space<hbm>>) target(%dma_start3A_1562 : memref<64x128xf32, #tpu.memory_space<vmem>>) offsets(%dma_start3A_1565 : memref<64xi32, #tpu.memory_space<vmem>>) semaphore(%arg15 : memref<!tpu.dma_semaphore, #tpu.memory_space<semaphore_mem>>)
      %dma_wait3A_1569 = arith.constant 9 : i32
      %dma_wait3A_1570 = arith.constant 0 : i32
      %dma_wait3A_1571 = arith.constant 0 : i32
      %dma_wait3A_1572 = tpu.memref_slice %arg6[%dma_wait3A_1569, %dma_wait3A_1570, %dma_wait3A_1571] : memref<10x64x128xf32, #tpu.memory_space<vmem>> -> memref<1x64x128xf32, #tpu.memory_space<vmem>>
      %dma_wait3A_1573 = tpu.memref_squeeze %dma_wait3A_1572 : memref<1x64x128xf32, #tpu.memory_space<vmem>> -> memref<64x128xf32, #tpu.memory_space<vmem>>
      %dma_wait3A_1574 = arith.constant 0 : i32
      %dma_wait3A_1575 = tpu.memref_slice %arg4[%mul3A_2, %dma_wait3A_1574] : memref<204800x128xf32, #tpu.memory_space<hbm>> -> memref<64x128xf32, #tpu.memory_space<hbm>>
      %dma_wait3A_1576 = arith.constant 0 : i32
      %dma_wait3A_1577 = tpu.memref_slice %arg4[%mul3A_2, %dma_wait3A_1576] : memref<204800x128xf32, #tpu.memory_space<hbm>> -> memref<64x128xf32, #tpu.memory_space<hbm>>
      %dma_wait3A_1578 = arith.constant 0 : i32
      %dma_wait3A_1579 = arith.constant 0 : i32
      %dma_wait3A_1580 = tpu.memref_slice %arg6[%dma_wait3A_1569, %dma_wait3A_1578, %dma_wait3A_1579] : memref<10x64x128xf32, #tpu.memory_space<vmem>> -> memref<1x64x128xf32, #tpu.memory_space<vmem>>
      %dma_wait3A_1581 = tpu.memref_squeeze %dma_wait3A_1580 : memref<1x64x128xf32, #tpu.memory_space<vmem>> -> memref<64x128xf32, #tpu.memory_space<vmem>>
      tpu.wait_dma2 semaphore(%arg26 : memref<!tpu.dma_semaphore, #tpu.memory_space<semaphore_mem>>) src(%dma_wait3A_1581 : memref<64x128xf32, #tpu.memory_space<vmem>>) dst(%dma_wait3A_1577 : memref<64x128xf32, #tpu.memory_space<hbm>>)
      %add3A_1582 = arith.constant 9 : i32
      %add3A_1583 = arith.addi %mul3A_548, %add3A_1582 : i32
      %add3A_1584 = arith.constant 10 : i32
      %add3A_1585 = arith.addi %add3A_1583, %add3A_1584 : i32
      %jit3A_1586 = arith.constant 2 : i32
      %div3A_1587 = arith.divsi %add3A_1585, %jit3A_1586 : i32
      %sign3A_1588 = arith.constant 0 : i32
      %sign3A_1589 = arith.cmpi sgt, %add3A_1585, %sign3A_1588 : i32
      %sign3A_1590 = arith.extui %sign3A_1589 : i1 to i32
      %sign3A_1591 = arith.constant 0 : i32
      %sign3A_1592 = arith.cmpi slt, %add3A_1585, %sign3A_1591 : i32
      %sign3A_1593 = arith.extui %sign3A_1592 : i1 to i32
      %sign3A_1594 = arith.subi %sign3A_1590, %sign3A_1593 : i32
      %sign3A_1595 = arith.constant 0 : i32
      %sign3A_1596 = arith.cmpi sgt, %jit3A_1586, %sign3A_1595 : i32
      %sign3A_1597 = arith.extui %sign3A_1596 : i1 to i32
      %sign3A_1598 = arith.constant 0 : i32
      %sign3A_1599 = arith.cmpi slt, %jit3A_1586, %sign3A_1598 : i32
      %sign3A_1600 = arith.extui %sign3A_1599 : i1 to i32
      %sign3A_1601 = arith.subi %sign3A_1597, %sign3A_1600 : i32
      %ne3A_1602 = arith.cmpi ne, %sign3A_1594, %sign3A_1601 : i32
      %rem3A_1603 = arith.remsi %add3A_1585, %jit3A_1586 : i32
      %ne3A_1604 = arith.constant 0 : i32
      %ne3A_1605 = arith.cmpi ne, %rem3A_1603, %ne3A_1604 : i32
      %and3A_1606 = arith.andi %ne3A_1602, %ne3A_1605 : i1
      %sub3A_1607 = arith.constant 1 : i32
      %sub3A_1608 = arith.subi %div3A_1587, %sub3A_1607 : i32
      %select_n3A_1609 = arith.select %and3A_1606, %sub3A_1608, %div3A_1587 : i32
      %dma_start3A_1610 = arith.constant 9 : i32
      %dma_start3A_1611 = arith.constant 0 : i32
      %dma_start3A_1612 = arith.constant 0 : i32
      %dma_start3A_1613 = tpu.memref_slice %arg6[%dma_start3A_1610, %dma_start3A_1611, %dma_start3A_1612] : memref<10x64x128xf32, #tpu.memory_space<vmem>> -> memref<1x64x128xf32, #tpu.memory_space<vmem>>
      %dma_start3A_1614 = tpu.memref_squeeze %dma_start3A_1613 : memref<1x64x128xf32, #tpu.memory_space<vmem>> -> memref<64x128xf32, #tpu.memory_space<vmem>>
      %dma_start3A_1615 = arith.constant 64 : i32
      %dma_start3A_1616 = tpu.memref_slice %arg5[%select_n3A_1609, %dma_start3A_1615] : memref<50x128xi32, #tpu.memory_space<vmem>> -> memref<1x64xi32, #tpu.memory_space<vmem>>
      %dma_start3A_1617 = tpu.memref_squeeze %dma_start3A_1616 : memref<1x64xi32, #tpu.memory_space<vmem>> -> memref<64xi32, #tpu.memory_space<vmem>>
      %dma_start3A_1618 = arith.constant 0 : i32
      %dma_start3A_1619 = arith.constant 0 : i32
      %dma_start3A_1620 = tpu.memref_slice %arg3[%dma_start3A_1618, %dma_start3A_1619] : memref<100000x128xf32, #tpu.memory_space<hbm>> -> memref<100000x128xf32, #tpu.memory_space<hbm>>
      tpu.enqueue_indirect_dma source(%dma_start3A_1620 : memref<100000x128xf32, #tpu.memory_space<hbm>>) target(%dma_start3A_1614 : memref<64x128xf32, #tpu.memory_space<vmem>>) offsets(%dma_start3A_1617 : memref<64xi32, #tpu.memory_space<vmem>>) semaphore(%arg16 : memref<!tpu.dma_semaphore, #tpu.memory_space<semaphore_mem>>)
    }
    %scan3A_126 = arith.constant 9 : i32
    %dma_wait3A = arith.constant 0 : i32
    %dma_wait3A_127 = arith.constant 0 : i32
    %dma_wait3A_128 = arith.constant 0 : i32
    %dma_wait3A_129 = arith.constant 0 : i32
    %dma_wait3A_130 = tpu.memref_slice %arg6[%dma_wait3A_127, %dma_wait3A_128, %dma_wait3A_129] : memref<10x64x128xf32, #tpu.memory_space<vmem>> -> memref<1x64x128xf32, #tpu.memory_space<vmem>>
    %dma_wait3A_131 = tpu.memref_squeeze %dma_wait3A_130 : memref<1x64x128xf32, #tpu.memory_space<vmem>> -> memref<64x128xf32, #tpu.memory_space<vmem>>
    %dma_wait3A_132 = arith.constant 0 : i32
    %dma_wait3A_133 = tpu.memref_slice %arg5[%dma_wait3A, %dma_wait3A_132] : memref<50x128xi32, #tpu.memory_space<vmem>> -> memref<1x64xi32, #tpu.memory_space<vmem>>
    %dma_wait3A_134 = tpu.memref_squeeze %dma_wait3A_133 : memref<1x64xi32, #tpu.memory_space<vmem>> -> memref<64xi32, #tpu.memory_space<vmem>>
    %dma_wait3A_135 = arith.constant 0 : i32
    %dma_wait3A_136 = arith.constant 0 : i32
    %dma_wait3A_137 = tpu.memref_slice %arg3[%dma_wait3A_135, %dma_wait3A_136] : memref<100000x128xf32, #tpu.memory_space<hbm>> -> memref<100000x128xf32, #tpu.memory_space<hbm>>
    tpu.wait_indirect_dma semaphore(%arg7 : memref<!tpu.dma_semaphore, #tpu.memory_space<semaphore_mem>>) src(%dma_wait3A_137 : memref<100000x128xf32, #tpu.memory_space<hbm>>) dst(%dma_wait3A_131 : memref<64x128xf32, #tpu.memory_space<vmem>>)
    %add3A_138 = arith.constant 184320 : i32
    %add3A_139 = arith.addi %add3A_138, %mul3A_2 : i32
    %add3A_140 = arith.constant 0 : i32
    %add3A_141 = arith.addi %add3A_139, %add3A_140 : i32
    %dma_start3A_142 = arith.constant 0 : i32
    %dma_start3A_143 = arith.constant 0 : i32
    %dma_start3A_144 = arith.constant 0 : i32
    %dma_start3A_145 = tpu.memref_slice %arg6[%dma_start3A_142, %dma_start3A_143, %dma_start3A_144] : memref<10x64x128xf32, #tpu.memory_space<vmem>> -> memref<1x64x128xf32, #tpu.memory_space<vmem>>
    %dma_start3A_146 = tpu.memref_squeeze %dma_start3A_145 : memref<1x64x128xf32, #tpu.memory_space<vmem>> -> memref<64x128xf32, #tpu.memory_space<vmem>>
    %dma_start3A_147 = arith.constant 0 : i32
    %dma_start3A_148 = tpu.memref_slice %arg4[%add3A_141, %dma_start3A_147] : memref<204800x128xf32, #tpu.memory_space<hbm>> -> memref<64x128xf32, #tpu.memory_space<hbm>>
    %dma_start3A_149 = arith.constant 0 : i32
    %dma_start3A_150 = tpu.memref_slice %arg4[%add3A_141, %dma_start3A_149] : memref<204800x128xf32, #tpu.memory_space<hbm>> -> memref<64x128xf32, #tpu.memory_space<hbm>>
    %dma_start3A_151 = arith.constant 0 : i32
    %dma_start3A_152 = arith.constant 0 : i32
    %dma_start3A_153 = tpu.memref_slice %arg6[%dma_start3A_142, %dma_start3A_151, %dma_start3A_152] : memref<10x64x128xf32, #tpu.memory_space<vmem>> -> memref<1x64x128xf32, #tpu.memory_space<vmem>>
    %dma_start3A_154 = tpu.memref_squeeze %dma_start3A_153 : memref<1x64x128xf32, #tpu.memory_space<vmem>> -> memref<64x128xf32, #tpu.memory_space<vmem>>
    tpu.enqueue_dma source(%dma_start3A_154 : memref<64x128xf32, #tpu.memory_space<vmem>>) target(%dma_start3A_150 : memref<64x128xf32, #tpu.memory_space<hbm>>) target_semaphore(%arg17 : memref<!tpu.dma_semaphore, #tpu.memory_space<semaphore_mem>>)
    %dma_wait3A_155 = arith.constant 0 : i32
    %dma_wait3A_156 = arith.constant 1 : i32
    %dma_wait3A_157 = arith.constant 0 : i32
    %dma_wait3A_158 = arith.constant 0 : i32
    %dma_wait3A_159 = tpu.memref_slice %arg6[%dma_wait3A_156, %dma_wait3A_157, %dma_wait3A_158] : memref<10x64x128xf32, #tpu.memory_space<vmem>> -> memref<1x64x128xf32, #tpu.memory_space<vmem>>
    %dma_wait3A_160 = tpu.memref_squeeze %dma_wait3A_159 : memref<1x64x128xf32, #tpu.memory_space<vmem>> -> memref<64x128xf32, #tpu.memory_space<vmem>>
    %dma_wait3A_161 = arith.constant 0 : i32
    %dma_wait3A_162 = tpu.memref_slice %arg5[%dma_wait3A_155, %dma_wait3A_161] : memref<50x128xi32, #tpu.memory_space<vmem>> -> memref<1x64xi32, #tpu.memory_space<vmem>>
    %dma_wait3A_163 = tpu.memref_squeeze %dma_wait3A_162 : memref<1x64xi32, #tpu.memory_space<vmem>> -> memref<64xi32, #tpu.memory_space<vmem>>
    %dma_wait3A_164 = arith.constant 0 : i32
    %dma_wait3A_165 = arith.constant 0 : i32
    %dma_wait3A_166 = tpu.memref_slice %arg3[%dma_wait3A_164, %dma_wait3A_165] : memref<100000x128xf32, #tpu.memory_space<hbm>> -> memref<100000x128xf32, #tpu.memory_space<hbm>>
    tpu.wait_indirect_dma semaphore(%arg8 : memref<!tpu.dma_semaphore, #tpu.memory_space<semaphore_mem>>) src(%dma_wait3A_166 : memref<100000x128xf32, #tpu.memory_space<hbm>>) dst(%dma_wait3A_160 : memref<64x128xf32, #tpu.memory_space<vmem>>)
    %add3A_167 = arith.constant 184320 : i32
    %add3A_168 = arith.addi %add3A_167, %mul3A_2 : i32
    %add3A_169 = arith.constant 64 : i32
    %add3A_170 = arith.addi %add3A_168, %add3A_169 : i32
    %dma_start3A_171 = arith.constant 1 : i32
    %dma_start3A_172 = arith.constant 0 : i32
    %dma_start3A_173 = arith.constant 0 : i32
    %dma_start3A_174 = tpu.memref_slice %arg6[%dma_start3A_171, %dma_start3A_172, %dma_start3A_173] : memref<10x64x128xf32, #tpu.memory_space<vmem>> -> memref<1x64x128xf32, #tpu.memory_space<vmem>>
    %dma_start3A_175 = tpu.memref_squeeze %dma_start3A_174 : memref<1x64x128xf32, #tpu.memory_space<vmem>> -> memref<64x128xf32, #tpu.memory_space<vmem>>
    %dma_start3A_176 = arith.constant 0 : i32
    %dma_start3A_177 = tpu.memref_slice %arg4[%add3A_170, %dma_start3A_176] : memref<204800x128xf32, #tpu.memory_space<hbm>> -> memref<64x128xf32, #tpu.memory_space<hbm>>
    %dma_start3A_178 = arith.constant 0 : i32
    %dma_start3A_179 = tpu.memref_slice %arg4[%add3A_170, %dma_start3A_178] : memref<204800x128xf32, #tpu.memory_space<hbm>> -> memref<64x128xf32, #tpu.memory_space<hbm>>
    %dma_start3A_180 = arith.constant 0 : i32
    %dma_start3A_181 = arith.constant 0 : i32
    %dma_start3A_182 = tpu.memref_slice %arg6[%dma_start3A_171, %dma_start3A_180, %dma_start3A_181] : memref<10x64x128xf32, #tpu.memory_space<vmem>> -> memref<1x64x128xf32, #tpu.memory_space<vmem>>
    %dma_start3A_183 = tpu.memref_squeeze %dma_start3A_182 : memref<1x64x128xf32, #tpu.memory_space<vmem>> -> memref<64x128xf32, #tpu.memory_space<vmem>>
    tpu.enqueue_dma source(%dma_start3A_183 : memref<64x128xf32, #tpu.memory_space<vmem>>) target(%dma_start3A_179 : memref<64x128xf32, #tpu.memory_space<hbm>>) target_semaphore(%arg18 : memref<!tpu.dma_semaphore, #tpu.memory_space<semaphore_mem>>)
    %dma_wait3A_184 = arith.constant 0 : i32
    %dma_wait3A_185 = arith.constant 2 : i32
    %dma_wait3A_186 = arith.constant 0 : i32
    %dma_wait3A_187 = arith.constant 0 : i32
    %dma_wait3A_188 = tpu.memref_slice %arg6[%dma_wait3A_185, %dma_wait3A_186, %dma_wait3A_187] : memref<10x64x128xf32, #tpu.memory_space<vmem>> -> memref<1x64x128xf32, #tpu.memory_space<vmem>>
    %dma_wait3A_189 = tpu.memref_squeeze %dma_wait3A_188 : memref<1x64x128xf32, #tpu.memory_space<vmem>> -> memref<64x128xf32, #tpu.memory_space<vmem>>
    %dma_wait3A_190 = arith.constant 0 : i32
    %dma_wait3A_191 = tpu.memref_slice %arg5[%dma_wait3A_184, %dma_wait3A_190] : memref<50x128xi32, #tpu.memory_space<vmem>> -> memref<1x64xi32, #tpu.memory_space<vmem>>
    %dma_wait3A_192 = tpu.memref_squeeze %dma_wait3A_191 : memref<1x64xi32, #tpu.memory_space<vmem>> -> memref<64xi32, #tpu.memory_space<vmem>>
    %dma_wait3A_193 = arith.constant 0 : i32
    %dma_wait3A_194 = arith.constant 0 : i32
    %dma_wait3A_195 = tpu.memref_slice %arg3[%dma_wait3A_193, %dma_wait3A_194] : memref<100000x128xf32, #tpu.memory_space<hbm>> -> memref<100000x128xf32, #tpu.memory_space<hbm>>
    tpu.wait_indirect_dma semaphore(%arg9 : memref<!tpu.dma_semaphore, #tpu.memory_space<semaphore_mem>>) src(%dma_wait3A_195 : memref<100000x128xf32, #tpu.memory_space<hbm>>) dst(%dma_wait3A_189 : memref<64x128xf32, #tpu.memory_space<vmem>>)
    %add3A_196 = arith.constant 188416 : i32
    %add3A_197 = arith.addi %add3A_196, %mul3A_2 : i32
    %add3A_198 = arith.constant 0 : i32
    %add3A_199 = arith.addi %add3A_197, %add3A_198 : i32
    %dma_start3A_200 = arith.constant 2 : i32
    %dma_start3A_201 = arith.constant 0 : i32
    %dma_start3A_202 = arith.constant 0 : i32
    %dma_start3A_203 = tpu.memref_slice %arg6[%dma_start3A_200, %dma_start3A_201, %dma_start3A_202] : memref<10x64x128xf32, #tpu.memory_space<vmem>> -> memref<1x64x128xf32, #tpu.memory_space<vmem>>
    %dma_start3A_204 = tpu.memref_squeeze %dma_start3A_203 : memref<1x64x128xf32, #tpu.memory_space<vmem>> -> memref<64x128xf32, #tpu.memory_space<vmem>>
    %dma_start3A_205 = arith.constant 0 : i32
    %dma_start3A_206 = tpu.memref_slice %arg4[%add3A_199, %dma_start3A_205] : memref<204800x128xf32, #tpu.memory_space<hbm>> -> memref<64x128xf32, #tpu.memory_space<hbm>>
    %dma_start3A_207 = arith.constant 0 : i32
    %dma_start3A_208 = tpu.memref_slice %arg4[%add3A_199, %dma_start3A_207] : memref<204800x128xf32, #tpu.memory_space<hbm>> -> memref<64x128xf32, #tpu.memory_space<hbm>>
    %dma_start3A_209 = arith.constant 0 : i32
    %dma_start3A_210 = arith.constant 0 : i32
    %dma_start3A_211 = tpu.memref_slice %arg6[%dma_start3A_200, %dma_start3A_209, %dma_start3A_210] : memref<10x64x128xf32, #tpu.memory_space<vmem>> -> memref<1x64x128xf32, #tpu.memory_space<vmem>>
    %dma_start3A_212 = tpu.memref_squeeze %dma_start3A_211 : memref<1x64x128xf32, #tpu.memory_space<vmem>> -> memref<64x128xf32, #tpu.memory_space<vmem>>
    tpu.enqueue_dma source(%dma_start3A_212 : memref<64x128xf32, #tpu.memory_space<vmem>>) target(%dma_start3A_208 : memref<64x128xf32, #tpu.memory_space<hbm>>) target_semaphore(%arg19 : memref<!tpu.dma_semaphore, #tpu.memory_space<semaphore_mem>>)
    %dma_wait3A_213 = arith.constant 0 : i32
    %dma_wait3A_214 = arith.constant 3 : i32
    %dma_wait3A_215 = arith.constant 0 : i32
    %dma_wait3A_216 = arith.constant 0 : i32
    %dma_wait3A_217 = tpu.memref_slice %arg6[%dma_wait3A_214, %dma_wait3A_215, %dma_wait3A_216] : memref<10x64x128xf32, #tpu.memory_space<vmem>> -> memref<1x64x128xf32, #tpu.memory_space<vmem>>
    %dma_wait3A_218 = tpu.memref_squeeze %dma_wait3A_217 : memref<1x64x128xf32, #tpu.memory_space<vmem>> -> memref<64x128xf32, #tpu.memory_space<vmem>>
    %dma_wait3A_219 = arith.constant 0 : i32
    %dma_wait3A_220 = tpu.memref_slice %arg5[%dma_wait3A_213, %dma_wait3A_219] : memref<50x128xi32, #tpu.memory_space<vmem>> -> memref<1x64xi32, #tpu.memory_space<vmem>>
    %dma_wait3A_221 = tpu.memref_squeeze %dma_wait3A_220 : memref<1x64xi32, #tpu.memory_space<vmem>> -> memref<64xi32, #tpu.memory_space<vmem>>
    %dma_wait3A_222 = arith.constant 0 : i32
    %dma_wait3A_223 = arith.constant 0 : i32
    %dma_wait3A_224 = tpu.memref_slice %arg3[%dma_wait3A_222, %dma_wait3A_223] : memref<100000x128xf32, #tpu.memory_space<hbm>> -> memref<100000x128xf32, #tpu.memory_space<hbm>>
    tpu.wait_indirect_dma semaphore(%arg10 : memref<!tpu.dma_semaphore, #tpu.memory_space<semaphore_mem>>) src(%dma_wait3A_224 : memref<100000x128xf32, #tpu.memory_space<hbm>>) dst(%dma_wait3A_218 : memref<64x128xf32, #tpu.memory_space<vmem>>)
    %add3A_225 = arith.constant 188416 : i32
    %add3A_226 = arith.addi %add3A_225, %mul3A_2 : i32
    %add3A_227 = arith.constant 64 : i32
    %add3A_228 = arith.addi %add3A_226, %add3A_227 : i32
    %dma_start3A_229 = arith.constant 3 : i32
    %dma_start3A_230 = arith.constant 0 : i32
    %dma_start3A_231 = arith.constant 0 : i32
    %dma_start3A_232 = tpu.memref_slice %arg6[%dma_start3A_229, %dma_start3A_230, %dma_start3A_231] : memref<10x64x128xf32, #tpu.memory_space<vmem>> -> memref<1x64x128xf32, #tpu.memory_space<vmem>>
    %dma_start3A_233 = tpu.memref_squeeze %dma_start3A_232 : memref<1x64x128xf32, #tpu.memory_space<vmem>> -> memref<64x128xf32, #tpu.memory_space<vmem>>
    %dma_start3A_234 = arith.constant 0 : i32
    %dma_start3A_235 = tpu.memref_slice %arg4[%add3A_228, %dma_start3A_234] : memref<204800x128xf32, #tpu.memory_space<hbm>> -> memref<64x128xf32, #tpu.memory_space<hbm>>
    %dma_start3A_236 = arith.constant 0 : i32
    %dma_start3A_237 = tpu.memref_slice %arg4[%add3A_228, %dma_start3A_236] : memref<204800x128xf32, #tpu.memory_space<hbm>> -> memref<64x128xf32, #tpu.memory_space<hbm>>
    %dma_start3A_238 = arith.constant 0 : i32
    %dma_start3A_239 = arith.constant 0 : i32
    %dma_start3A_240 = tpu.memref_slice %arg6[%dma_start3A_229, %dma_start3A_238, %dma_start3A_239] : memref<10x64x128xf32, #tpu.memory_space<vmem>> -> memref<1x64x128xf32, #tpu.memory_space<vmem>>
    %dma_start3A_241 = tpu.memref_squeeze %dma_start3A_240 : memref<1x64x128xf32, #tpu.memory_space<vmem>> -> memref<64x128xf32, #tpu.memory_space<vmem>>
    tpu.enqueue_dma source(%dma_start3A_241 : memref<64x128xf32, #tpu.memory_space<vmem>>) target(%dma_start3A_237 : memref<64x128xf32, #tpu.memory_space<hbm>>) target_semaphore(%arg20 : memref<!tpu.dma_semaphore, #tpu.memory_space<semaphore_mem>>)
    %dma_wait3A_242 = arith.constant 0 : i32
    %dma_wait3A_243 = arith.constant 4 : i32
    %dma_wait3A_244 = arith.constant 0 : i32
    %dma_wait3A_245 = arith.constant 0 : i32
    %dma_wait3A_246 = tpu.memref_slice %arg6[%dma_wait3A_243, %dma_wait3A_244, %dma_wait3A_245] : memref<10x64x128xf32, #tpu.memory_space<vmem>> -> memref<1x64x128xf32, #tpu.memory_space<vmem>>
    %dma_wait3A_247 = tpu.memref_squeeze %dma_wait3A_246 : memref<1x64x128xf32, #tpu.memory_space<vmem>> -> memref<64x128xf32, #tpu.memory_space<vmem>>
    %dma_wait3A_248 = arith.constant 0 : i32
    %dma_wait3A_249 = tpu.memref_slice %arg5[%dma_wait3A_242, %dma_wait3A_248] : memref<50x128xi32, #tpu.memory_space<vmem>> -> memref<1x64xi32, #tpu.memory_space<vmem>>
    %dma_wait3A_250 = tpu.memref_squeeze %dma_wait3A_249 : memref<1x64xi32, #tpu.memory_space<vmem>> -> memref<64xi32, #tpu.memory_space<vmem>>
    %dma_wait3A_251 = arith.constant 0 : i32
    %dma_wait3A_252 = arith.constant 0 : i32
    %dma_wait3A_253 = tpu.memref_slice %arg3[%dma_wait3A_251, %dma_wait3A_252] : memref<100000x128xf32, #tpu.memory_space<hbm>> -> memref<100000x128xf32, #tpu.memory_space<hbm>>
    tpu.wait_indirect_dma semaphore(%arg11 : memref<!tpu.dma_semaphore, #tpu.memory_space<semaphore_mem>>) src(%dma_wait3A_253 : memref<100000x128xf32, #tpu.memory_space<hbm>>) dst(%dma_wait3A_247 : memref<64x128xf32, #tpu.memory_space<vmem>>)
    %add3A_254 = arith.constant 192512 : i32
    %add3A_255 = arith.addi %add3A_254, %mul3A_2 : i32
    %add3A_256 = arith.constant 0 : i32
    %add3A_257 = arith.addi %add3A_255, %add3A_256 : i32
    %dma_start3A_258 = arith.constant 4 : i32
    %dma_start3A_259 = arith.constant 0 : i32
    %dma_start3A_260 = arith.constant 0 : i32
    %dma_start3A_261 = tpu.memref_slice %arg6[%dma_start3A_258, %dma_start3A_259, %dma_start3A_260] : memref<10x64x128xf32, #tpu.memory_space<vmem>> -> memref<1x64x128xf32, #tpu.memory_space<vmem>>
    %dma_start3A_262 = tpu.memref_squeeze %dma_start3A_261 : memref<1x64x128xf32, #tpu.memory_space<vmem>> -> memref<64x128xf32, #tpu.memory_space<vmem>>
    %dma_start3A_263 = arith.constant 0 : i32
    %dma_start3A_264 = tpu.memref_slice %arg4[%add3A_257, %dma_start3A_263] : memref<204800x128xf32, #tpu.memory_space<hbm>> -> memref<64x128xf32, #tpu.memory_space<hbm>>
    %dma_start3A_265 = arith.constant 0 : i32
    %dma_start3A_266 = tpu.memref_slice %arg4[%add3A_257, %dma_start3A_265] : memref<204800x128xf32, #tpu.memory_space<hbm>> -> memref<64x128xf32, #tpu.memory_space<hbm>>
    %dma_start3A_267 = arith.constant 0 : i32
    %dma_start3A_268 = arith.constant 0 : i32
    %dma_start3A_269 = tpu.memref_slice %arg6[%dma_start3A_258, %dma_start3A_267, %dma_start3A_268] : memref<10x64x128xf32, #tpu.memory_space<vmem>> -> memref<1x64x128xf32, #tpu.memory_space<vmem>>
    %dma_start3A_270 = tpu.memref_squeeze %dma_start3A_269 : memref<1x64x128xf32, #tpu.memory_space<vmem>> -> memref<64x128xf32, #tpu.memory_space<vmem>>
    tpu.enqueue_dma source(%dma_start3A_270 : memref<64x128xf32, #tpu.memory_space<vmem>>) target(%dma_start3A_266 : memref<64x128xf32, #tpu.memory_space<hbm>>) target_semaphore(%arg21 : memref<!tpu.dma_semaphore, #tpu.memory_space<semaphore_mem>>)
    %dma_wait3A_271 = arith.constant 0 : i32
    %dma_wait3A_272 = arith.constant 5 : i32
    %dma_wait3A_273 = arith.constant 0 : i32
    %dma_wait3A_274 = arith.constant 0 : i32
    %dma_wait3A_275 = tpu.memref_slice %arg6[%dma_wait3A_272, %dma_wait3A_273, %dma_wait3A_274] : memref<10x64x128xf32, #tpu.memory_space<vmem>> -> memref<1x64x128xf32, #tpu.memory_space<vmem>>
    %dma_wait3A_276 = tpu.memref_squeeze %dma_wait3A_275 : memref<1x64x128xf32, #tpu.memory_space<vmem>> -> memref<64x128xf32, #tpu.memory_space<vmem>>
    %dma_wait3A_277 = arith.constant 0 : i32
    %dma_wait3A_278 = tpu.memref_slice %arg5[%dma_wait3A_271, %dma_wait3A_277] : memref<50x128xi32, #tpu.memory_space<vmem>> -> memref<1x64xi32, #tpu.memory_space<vmem>>
    %dma_wait3A_279 = tpu.memref_squeeze %dma_wait3A_278 : memref<1x64xi32, #tpu.memory_space<vmem>> -> memref<64xi32, #tpu.memory_space<vmem>>
    %dma_wait3A_280 = arith.constant 0 : i32
    %dma_wait3A_281 = arith.constant 0 : i32
    %dma_wait3A_282 = tpu.memref_slice %arg3[%dma_wait3A_280, %dma_wait3A_281] : memref<100000x128xf32, #tpu.memory_space<hbm>> -> memref<100000x128xf32, #tpu.memory_space<hbm>>
    tpu.wait_indirect_dma semaphore(%arg12 : memref<!tpu.dma_semaphore, #tpu.memory_space<semaphore_mem>>) src(%dma_wait3A_282 : memref<100000x128xf32, #tpu.memory_space<hbm>>) dst(%dma_wait3A_276 : memref<64x128xf32, #tpu.memory_space<vmem>>)
    %add3A_283 = arith.constant 192512 : i32
    %add3A_284 = arith.addi %add3A_283, %mul3A_2 : i32
    %add3A_285 = arith.constant 64 : i32
    %add3A_286 = arith.addi %add3A_284, %add3A_285 : i32
    %dma_start3A_287 = arith.constant 5 : i32
    %dma_start3A_288 = arith.constant 0 : i32
    %dma_start3A_289 = arith.constant 0 : i32
    %dma_start3A_290 = tpu.memref_slice %arg6[%dma_start3A_287, %dma_start3A_288, %dma_start3A_289] : memref<10x64x128xf32, #tpu.memory_space<vmem>> -> memref<1x64x128xf32, #tpu.memory_space<vmem>>
    %dma_start3A_291 = tpu.memref_squeeze %dma_start3A_290 : memref<1x64x128xf32, #tpu.memory_space<vmem>> -> memref<64x128xf32, #tpu.memory_space<vmem>>
    %dma_start3A_292 = arith.constant 0 : i32
    %dma_start3A_293 = tpu.memref_slice %arg4[%add3A_286, %dma_start3A_292] : memref<204800x128xf32, #tpu.memory_space<hbm>> -> memref<64x128xf32, #tpu.memory_space<hbm>>
    %dma_start3A_294 = arith.constant 0 : i32
    %dma_start3A_295 = tpu.memref_slice %arg4[%add3A_286, %dma_start3A_294] : memref<204800x128xf32, #tpu.memory_space<hbm>> -> memref<64x128xf32, #tpu.memory_space<hbm>>
    %dma_start3A_296 = arith.constant 0 : i32
    %dma_start3A_297 = arith.constant 0 : i32
    %dma_start3A_298 = tpu.memref_slice %arg6[%dma_start3A_287, %dma_start3A_296, %dma_start3A_297] : memref<10x64x128xf32, #tpu.memory_space<vmem>> -> memref<1x64x128xf32, #tpu.memory_space<vmem>>
    %dma_start3A_299 = tpu.memref_squeeze %dma_start3A_298 : memref<1x64x128xf32, #tpu.memory_space<vmem>> -> memref<64x128xf32, #tpu.memory_space<vmem>>
    tpu.enqueue_dma source(%dma_start3A_299 : memref<64x128xf32, #tpu.memory_space<vmem>>) target(%dma_start3A_295 : memref<64x128xf32, #tpu.memory_space<hbm>>) target_semaphore(%arg22 : memref<!tpu.dma_semaphore, #tpu.memory_space<semaphore_mem>>)
    %dma_wait3A_300 = arith.constant 0 : i32
    %dma_wait3A_301 = arith.constant 6 : i32
    %dma_wait3A_302 = arith.constant 0 : i32
    %dma_wait3A_303 = arith.constant 0 : i32
    %dma_wait3A_304 = tpu.memref_slice %arg6[%dma_wait3A_301, %dma_wait3A_302, %dma_wait3A_303] : memref<10x64x128xf32, #tpu.memory_space<vmem>> -> memref<1x64x128xf32, #tpu.memory_space<vmem>>
    %dma_wait3A_305 = tpu.memref_squeeze %dma_wait3A_304 : memref<1x64x128xf32, #tpu.memory_space<vmem>> -> memref<64x128xf32, #tpu.memory_space<vmem>>
    %dma_wait3A_306 = arith.constant 0 : i32
    %dma_wait3A_307 = tpu.memref_slice %arg5[%dma_wait3A_300, %dma_wait3A_306] : memref<50x128xi32, #tpu.memory_space<vmem>> -> memref<1x64xi32, #tpu.memory_space<vmem>>
    %dma_wait3A_308 = tpu.memref_squeeze %dma_wait3A_307 : memref<1x64xi32, #tpu.memory_space<vmem>> -> memref<64xi32, #tpu.memory_space<vmem>>
    %dma_wait3A_309 = arith.constant 0 : i32
    %dma_wait3A_310 = arith.constant 0 : i32
    %dma_wait3A_311 = tpu.memref_slice %arg3[%dma_wait3A_309, %dma_wait3A_310] : memref<100000x128xf32, #tpu.memory_space<hbm>> -> memref<100000x128xf32, #tpu.memory_space<hbm>>
    tpu.wait_indirect_dma semaphore(%arg13 : memref<!tpu.dma_semaphore, #tpu.memory_space<semaphore_mem>>) src(%dma_wait3A_311 : memref<100000x128xf32, #tpu.memory_space<hbm>>) dst(%dma_wait3A_305 : memref<64x128xf32, #tpu.memory_space<vmem>>)
    %add3A_312 = arith.constant 196608 : i32
    %add3A_313 = arith.addi %add3A_312, %mul3A_2 : i32
    %add3A_314 = arith.constant 0 : i32
    %add3A_315 = arith.addi %add3A_313, %add3A_314 : i32
    %dma_start3A_316 = arith.constant 6 : i32
    %dma_start3A_317 = arith.constant 0 : i32
    %dma_start3A_318 = arith.constant 0 : i32
    %dma_start3A_319 = tpu.memref_slice %arg6[%dma_start3A_316, %dma_start3A_317, %dma_start3A_318] : memref<10x64x128xf32, #tpu.memory_space<vmem>> -> memref<1x64x128xf32, #tpu.memory_space<vmem>>
    %dma_start3A_320 = tpu.memref_squeeze %dma_start3A_319 : memref<1x64x128xf32, #tpu.memory_space<vmem>> -> memref<64x128xf32, #tpu.memory_space<vmem>>
    %dma_start3A_321 = arith.constant 0 : i32
    %dma_start3A_322 = tpu.memref_slice %arg4[%add3A_315, %dma_start3A_321] : memref<204800x128xf32, #tpu.memory_space<hbm>> -> memref<64x128xf32, #tpu.memory_space<hbm>>
    %dma_start3A_323 = arith.constant 0 : i32
    %dma_start3A_324 = tpu.memref_slice %arg4[%add3A_315, %dma_start3A_323] : memref<204800x128xf32, #tpu.memory_space<hbm>> -> memref<64x128xf32, #tpu.memory_space<hbm>>
    %dma_start3A_325 = arith.constant 0 : i32
    %dma_start3A_326 = arith.constant 0 : i32
    %dma_start3A_327 = tpu.memref_slice %arg6[%dma_start3A_316, %dma_start3A_325, %dma_start3A_326] : memref<10x64x128xf32, #tpu.memory_space<vmem>> -> memref<1x64x128xf32, #tpu.memory_space<vmem>>
    %dma_start3A_328 = tpu.memref_squeeze %dma_start3A_327 : memref<1x64x128xf32, #tpu.memory_space<vmem>> -> memref<64x128xf32, #tpu.memory_space<vmem>>
    tpu.enqueue_dma source(%dma_start3A_328 : memref<64x128xf32, #tpu.memory_space<vmem>>) target(%dma_start3A_324 : memref<64x128xf32, #tpu.memory_space<hbm>>) target_semaphore(%arg23 : memref<!tpu.dma_semaphore, #tpu.memory_space<semaphore_mem>>)
    %dma_wait3A_329 = arith.constant 0 : i32
    %dma_wait3A_330 = arith.constant 7 : i32
    %dma_wait3A_331 = arith.constant 0 : i32
    %dma_wait3A_332 = arith.constant 0 : i32
    %dma_wait3A_333 = tpu.memref_slice %arg6[%dma_wait3A_330, %dma_wait3A_331, %dma_wait3A_332] : memref<10x64x128xf32, #tpu.memory_space<vmem>> -> memref<1x64x128xf32, #tpu.memory_space<vmem>>
    %dma_wait3A_334 = tpu.memref_squeeze %dma_wait3A_333 : memref<1x64x128xf32, #tpu.memory_space<vmem>> -> memref<64x128xf32, #tpu.memory_space<vmem>>
    %dma_wait3A_335 = arith.constant 0 : i32
    %dma_wait3A_336 = tpu.memref_slice %arg5[%dma_wait3A_329, %dma_wait3A_335] : memref<50x128xi32, #tpu.memory_space<vmem>> -> memref<1x64xi32, #tpu.memory_space<vmem>>
    %dma_wait3A_337 = tpu.memref_squeeze %dma_wait3A_336 : memref<1x64xi32, #tpu.memory_space<vmem>> -> memref<64xi32, #tpu.memory_space<vmem>>
    %dma_wait3A_338 = arith.constant 0 : i32
    %dma_wait3A_339 = arith.constant 0 : i32
    %dma_wait3A_340 = tpu.memref_slice %arg3[%dma_wait3A_338, %dma_wait3A_339] : memref<100000x128xf32, #tpu.memory_space<hbm>> -> memref<100000x128xf32, #tpu.memory_space<hbm>>
    tpu.wait_indirect_dma semaphore(%arg14 : memref<!tpu.dma_semaphore, #tpu.memory_space<semaphore_mem>>) src(%dma_wait3A_340 : memref<100000x128xf32, #tpu.memory_space<hbm>>) dst(%dma_wait3A_334 : memref<64x128xf32, #tpu.memory_space<vmem>>)
    %add3A_341 = arith.constant 196608 : i32
    %add3A_342 = arith.addi %add3A_341, %mul3A_2 : i32
    %add3A_343 = arith.constant 64 : i32
    %add3A_344 = arith.addi %add3A_342, %add3A_343 : i32
    %dma_start3A_345 = arith.constant 7 : i32
    %dma_start3A_346 = arith.constant 0 : i32
    %dma_start3A_347 = arith.constant 0 : i32
    %dma_start3A_348 = tpu.memref_slice %arg6[%dma_start3A_345, %dma_start3A_346, %dma_start3A_347] : memref<10x64x128xf32, #tpu.memory_space<vmem>> -> memref<1x64x128xf32, #tpu.memory_space<vmem>>
    %dma_start3A_349 = tpu.memref_squeeze %dma_start3A_348 : memref<1x64x128xf32, #tpu.memory_space<vmem>> -> memref<64x128xf32, #tpu.memory_space<vmem>>
    %dma_start3A_350 = arith.constant 0 : i32
    %dma_start3A_351 = tpu.memref_slice %arg4[%add3A_344, %dma_start3A_350] : memref<204800x128xf32, #tpu.memory_space<hbm>> -> memref<64x128xf32, #tpu.memory_space<hbm>>
    %dma_start3A_352 = arith.constant 0 : i32
    %dma_start3A_353 = tpu.memref_slice %arg4[%add3A_344, %dma_start3A_352] : memref<204800x128xf32, #tpu.memory_space<hbm>> -> memref<64x128xf32, #tpu.memory_space<hbm>>
    %dma_start3A_354 = arith.constant 0 : i32
    %dma_start3A_355 = arith.constant 0 : i32
    %dma_start3A_356 = tpu.memref_slice %arg6[%dma_start3A_345, %dma_start3A_354, %dma_start3A_355] : memref<10x64x128xf32, #tpu.memory_space<vmem>> -> memref<1x64x128xf32, #tpu.memory_space<vmem>>
    %dma_start3A_357 = tpu.memref_squeeze %dma_start3A_356 : memref<1x64x128xf32, #tpu.memory_space<vmem>> -> memref<64x128xf32, #tpu.memory_space<vmem>>
    tpu.enqueue_dma source(%dma_start3A_357 : memref<64x128xf32, #tpu.memory_space<vmem>>) target(%dma_start3A_353 : memref<64x128xf32, #tpu.memory_space<hbm>>) target_semaphore(%arg24 : memref<!tpu.dma_semaphore, #tpu.memory_space<semaphore_mem>>)
    %dma_wait3A_358 = arith.constant 0 : i32
    %dma_wait3A_359 = arith.constant 8 : i32
    %dma_wait3A_360 = arith.constant 0 : i32
    %dma_wait3A_361 = arith.constant 0 : i32
    %dma_wait3A_362 = tpu.memref_slice %arg6[%dma_wait3A_359, %dma_wait3A_360, %dma_wait3A_361] : memref<10x64x128xf32, #tpu.memory_space<vmem>> -> memref<1x64x128xf32, #tpu.memory_space<vmem>>
    %dma_wait3A_363 = tpu.memref_squeeze %dma_wait3A_362 : memref<1x64x128xf32, #tpu.memory_space<vmem>> -> memref<64x128xf32, #tpu.memory_space<vmem>>
    %dma_wait3A_364 = arith.constant 0 : i32
    %dma_wait3A_365 = tpu.memref_slice %arg5[%dma_wait3A_358, %dma_wait3A_364] : memref<50x128xi32, #tpu.memory_space<vmem>> -> memref<1x64xi32, #tpu.memory_space<vmem>>
    %dma_wait3A_366 = tpu.memref_squeeze %dma_wait3A_365 : memref<1x64xi32, #tpu.memory_space<vmem>> -> memref<64xi32, #tpu.memory_space<vmem>>
    %dma_wait3A_367 = arith.constant 0 : i32
    %dma_wait3A_368 = arith.constant 0 : i32
    %dma_wait3A_369 = tpu.memref_slice %arg3[%dma_wait3A_367, %dma_wait3A_368] : memref<100000x128xf32, #tpu.memory_space<hbm>> -> memref<100000x128xf32, #tpu.memory_space<hbm>>
    tpu.wait_indirect_dma semaphore(%arg15 : memref<!tpu.dma_semaphore, #tpu.memory_space<semaphore_mem>>) src(%dma_wait3A_369 : memref<100000x128xf32, #tpu.memory_space<hbm>>) dst(%dma_wait3A_363 : memref<64x128xf32, #tpu.memory_space<vmem>>)
    %add3A_370 = arith.constant 200704 : i32
    %add3A_371 = arith.addi %add3A_370, %mul3A_2 : i32
    %add3A_372 = arith.constant 0 : i32
    %add3A_373 = arith.addi %add3A_371, %add3A_372 : i32
    %dma_start3A_374 = arith.constant 8 : i32
    %dma_start3A_375 = arith.constant 0 : i32
    %dma_start3A_376 = arith.constant 0 : i32
    %dma_start3A_377 = tpu.memref_slice %arg6[%dma_start3A_374, %dma_start3A_375, %dma_start3A_376] : memref<10x64x128xf32, #tpu.memory_space<vmem>> -> memref<1x64x128xf32, #tpu.memory_space<vmem>>
    %dma_start3A_378 = tpu.memref_squeeze %dma_start3A_377 : memref<1x64x128xf32, #tpu.memory_space<vmem>> -> memref<64x128xf32, #tpu.memory_space<vmem>>
    %dma_start3A_379 = arith.constant 0 : i32
    %dma_start3A_380 = tpu.memref_slice %arg4[%add3A_373, %dma_start3A_379] : memref<204800x128xf32, #tpu.memory_space<hbm>> -> memref<64x128xf32, #tpu.memory_space<hbm>>
    %dma_start3A_381 = arith.constant 0 : i32
    %dma_start3A_382 = tpu.memref_slice %arg4[%add3A_373, %dma_start3A_381] : memref<204800x128xf32, #tpu.memory_space<hbm>> -> memref<64x128xf32, #tpu.memory_space<hbm>>
    %dma_start3A_383 = arith.constant 0 : i32
    %dma_start3A_384 = arith.constant 0 : i32
    %dma_start3A_385 = tpu.memref_slice %arg6[%dma_start3A_374, %dma_start3A_383, %dma_start3A_384] : memref<10x64x128xf32, #tpu.memory_space<vmem>> -> memref<1x64x128xf32, #tpu.memory_space<vmem>>
    %dma_start3A_386 = tpu.memref_squeeze %dma_start3A_385 : memref<1x64x128xf32, #tpu.memory_space<vmem>> -> memref<64x128xf32, #tpu.memory_space<vmem>>
    tpu.enqueue_dma source(%dma_start3A_386 : memref<64x128xf32, #tpu.memory_space<vmem>>) target(%dma_start3A_382 : memref<64x128xf32, #tpu.memory_space<hbm>>) target_semaphore(%arg25 : memref<!tpu.dma_semaphore, #tpu.memory_space<semaphore_mem>>)
    %dma_wait3A_387 = arith.constant 0 : i32
    %dma_wait3A_388 = arith.constant 9 : i32
    %dma_wait3A_389 = arith.constant 0 : i32
    %dma_wait3A_390 = arith.constant 0 : i32
    %dma_wait3A_391 = tpu.memref_slice %arg6[%dma_wait3A_388, %dma_wait3A_389, %dma_wait3A_390] : memref<10x64x128xf32, #tpu.memory_space<vmem>> -> memref<1x64x128xf32, #tpu.memory_space<vmem>>
    %dma_wait3A_392 = tpu.memref_squeeze %dma_wait3A_391 : memref<1x64x128xf32, #tpu.memory_space<vmem>> -> memref<64x128xf32, #tpu.memory_space<vmem>>
    %dma_wait3A_393 = arith.constant 0 : i32
    %dma_wait3A_394 = tpu.memref_slice %arg5[%dma_wait3A_387, %dma_wait3A_393] : memref<50x128xi32, #tpu.memory_space<vmem>> -> memref<1x64xi32, #tpu.memory_space<vmem>>
    %dma_wait3A_395 = tpu.memref_squeeze %dma_wait3A_394 : memref<1x64xi32, #tpu.memory_space<vmem>> -> memref<64xi32, #tpu.memory_space<vmem>>
    %dma_wait3A_396 = arith.constant 0 : i32
    %dma_wait3A_397 = arith.constant 0 : i32
    %dma_wait3A_398 = tpu.memref_slice %arg3[%dma_wait3A_396, %dma_wait3A_397] : memref<100000x128xf32, #tpu.memory_space<hbm>> -> memref<100000x128xf32, #tpu.memory_space<hbm>>
    tpu.wait_indirect_dma semaphore(%arg16 : memref<!tpu.dma_semaphore, #tpu.memory_space<semaphore_mem>>) src(%dma_wait3A_398 : memref<100000x128xf32, #tpu.memory_space<hbm>>) dst(%dma_wait3A_392 : memref<64x128xf32, #tpu.memory_space<vmem>>)
    %add3A_399 = arith.constant 200704 : i32
    %add3A_400 = arith.addi %add3A_399, %mul3A_2 : i32
    %add3A_401 = arith.constant 64 : i32
    %add3A_402 = arith.addi %add3A_400, %add3A_401 : i32
    %dma_start3A_403 = arith.constant 9 : i32
    %dma_start3A_404 = arith.constant 0 : i32
    %dma_start3A_405 = arith.constant 0 : i32
    %dma_start3A_406 = tpu.memref_slice %arg6[%dma_start3A_403, %dma_start3A_404, %dma_start3A_405] : memref<10x64x128xf32, #tpu.memory_space<vmem>> -> memref<1x64x128xf32, #tpu.memory_space<vmem>>
    %dma_start3A_407 = tpu.memref_squeeze %dma_start3A_406 : memref<1x64x128xf32, #tpu.memory_space<vmem>> -> memref<64x128xf32, #tpu.memory_space<vmem>>
    %dma_start3A_408 = arith.constant 0 : i32
    %dma_start3A_409 = tpu.memref_slice %arg4[%add3A_402, %dma_start3A_408] : memref<204800x128xf32, #tpu.memory_space<hbm>> -> memref<64x128xf32, #tpu.memory_space<hbm>>
    %dma_start3A_410 = arith.constant 0 : i32
    %dma_start3A_411 = tpu.memref_slice %arg4[%add3A_402, %dma_start3A_410] : memref<204800x128xf32, #tpu.memory_space<hbm>> -> memref<64x128xf32, #tpu.memory_space<hbm>>
    %dma_start3A_412 = arith.constant 0 : i32
    %dma_start3A_413 = arith.constant 0 : i32
    %dma_start3A_414 = tpu.memref_slice %arg6[%dma_start3A_403, %dma_start3A_412, %dma_start3A_413] : memref<10x64x128xf32, #tpu.memory_space<vmem>> -> memref<1x64x128xf32, #tpu.memory_space<vmem>>
    %dma_start3A_415 = tpu.memref_squeeze %dma_start3A_414 : memref<1x64x128xf32, #tpu.memory_space<vmem>> -> memref<64x128xf32, #tpu.memory_space<vmem>>
    tpu.enqueue_dma source(%dma_start3A_415 : memref<64x128xf32, #tpu.memory_space<vmem>>) target(%dma_start3A_411 : memref<64x128xf32, #tpu.memory_space<hbm>>) target_semaphore(%arg26 : memref<!tpu.dma_semaphore, #tpu.memory_space<semaphore_mem>>)
    %dma_wait3A_416 = arith.constant 0 : i32
    %dma_wait3A_417 = arith.constant 0 : i32
    %dma_wait3A_418 = arith.constant 0 : i32
    %dma_wait3A_419 = tpu.memref_slice %arg6[%dma_wait3A_416, %dma_wait3A_417, %dma_wait3A_418] : memref<10x64x128xf32, #tpu.memory_space<vmem>> -> memref<1x64x128xf32, #tpu.memory_space<vmem>>
    %dma_wait3A_420 = tpu.memref_squeeze %dma_wait3A_419 : memref<1x64x128xf32, #tpu.memory_space<vmem>> -> memref<64x128xf32, #tpu.memory_space<vmem>>
    %dma_wait3A_421 = arith.constant 0 : i32
    %dma_wait3A_422 = tpu.memref_slice %arg4[%mul3A_2, %dma_wait3A_421] : memref<204800x128xf32, #tpu.memory_space<hbm>> -> memref<64x128xf32, #tpu.memory_space<hbm>>
    %dma_wait3A_423 = arith.constant 0 : i32
    %dma_wait3A_424 = tpu.memref_slice %arg4[%mul3A_2, %dma_wait3A_423] : memref<204800x128xf32, #tpu.memory_space<hbm>> -> memref<64x128xf32, #tpu.memory_space<hbm>>
    %dma_wait3A_425 = arith.constant 0 : i32
    %dma_wait3A_426 = arith.constant 0 : i32
    %dma_wait3A_427 = tpu.memref_slice %arg6[%dma_wait3A_416, %dma_wait3A_425, %dma_wait3A_426] : memref<10x64x128xf32, #tpu.memory_space<vmem>> -> memref<1x64x128xf32, #tpu.memory_space<vmem>>
    %dma_wait3A_428 = tpu.memref_squeeze %dma_wait3A_427 : memref<1x64x128xf32, #tpu.memory_space<vmem>> -> memref<64x128xf32, #tpu.memory_space<vmem>>
    tpu.wait_dma2 semaphore(%arg17 : memref<!tpu.dma_semaphore, #tpu.memory_space<semaphore_mem>>) src(%dma_wait3A_428 : memref<64x128xf32, #tpu.memory_space<vmem>>) dst(%dma_wait3A_424 : memref<64x128xf32, #tpu.memory_space<hbm>>)
    %dma_wait3A_429 = arith.constant 1 : i32
    %dma_wait3A_430 = arith.constant 0 : i32
    %dma_wait3A_431 = arith.constant 0 : i32
    %dma_wait3A_432 = tpu.memref_slice %arg6[%dma_wait3A_429, %dma_wait3A_430, %dma_wait3A_431] : memref<10x64x128xf32, #tpu.memory_space<vmem>> -> memref<1x64x128xf32, #tpu.memory_space<vmem>>
    %dma_wait3A_433 = tpu.memref_squeeze %dma_wait3A_432 : memref<1x64x128xf32, #tpu.memory_space<vmem>> -> memref<64x128xf32, #tpu.memory_space<vmem>>
    %dma_wait3A_434 = arith.constant 0 : i32
    %dma_wait3A_435 = tpu.memref_slice %arg4[%mul3A_2, %dma_wait3A_434] : memref<204800x128xf32, #tpu.memory_space<hbm>> -> memref<64x128xf32, #tpu.memory_space<hbm>>
    %dma_wait3A_436 = arith.constant 0 : i32
    %dma_wait3A_437 = tpu.memref_slice %arg4[%mul3A_2, %dma_wait3A_436] : memref<204800x128xf32, #tpu.memory_space<hbm>> -> memref<64x128xf32, #tpu.memory_space<hbm>>
    %dma_wait3A_438 = arith.constant 0 : i32
    %dma_wait3A_439 = arith.constant 0 : i32
    %dma_wait3A_440 = tpu.memref_slice %arg6[%dma_wait3A_429, %dma_wait3A_438, %dma_wait3A_439] : memref<10x64x128xf32, #tpu.memory_space<vmem>> -> memref<1x64x128xf32, #tpu.memory_space<vmem>>
    %dma_wait3A_441 = tpu.memref_squeeze %dma_wait3A_440 : memref<1x64x128xf32, #tpu.memory_space<vmem>> -> memref<64x128xf32, #tpu.memory_space<vmem>>
    tpu.wait_dma2 semaphore(%arg18 : memref<!tpu.dma_semaphore, #tpu.memory_space<semaphore_mem>>) src(%dma_wait3A_441 : memref<64x128xf32, #tpu.memory_space<vmem>>) dst(%dma_wait3A_437 : memref<64x128xf32, #tpu.memory_space<hbm>>)
    %dma_wait3A_442 = arith.constant 2 : i32
    %dma_wait3A_443 = arith.constant 0 : i32
    %dma_wait3A_444 = arith.constant 0 : i32
    %dma_wait3A_445 = tpu.memref_slice %arg6[%dma_wait3A_442, %dma_wait3A_443, %dma_wait3A_444] : memref<10x64x128xf32, #tpu.memory_space<vmem>> -> memref<1x64x128xf32, #tpu.memory_space<vmem>>
    %dma_wait3A_446 = tpu.memref_squeeze %dma_wait3A_445 : memref<1x64x128xf32, #tpu.memory_space<vmem>> -> memref<64x128xf32, #tpu.memory_space<vmem>>
    %dma_wait3A_447 = arith.constant 0 : i32
    %dma_wait3A_448 = tpu.memref_slice %arg4[%mul3A_2, %dma_wait3A_447] : memref<204800x128xf32, #tpu.memory_space<hbm>> -> memref<64x128xf32, #tpu.memory_space<hbm>>
    %dma_wait3A_449 = arith.constant 0 : i32
    %dma_wait3A_450 = tpu.memref_slice %arg4[%mul3A_2, %dma_wait3A_449] : memref<204800x128xf32, #tpu.memory_space<hbm>> -> memref<64x128xf32, #tpu.memory_space<hbm>>
    %dma_wait3A_451 = arith.constant 0 : i32
    %dma_wait3A_452 = arith.constant 0 : i32
    %dma_wait3A_453 = tpu.memref_slice %arg6[%dma_wait3A_442, %dma_wait3A_451, %dma_wait3A_452] : memref<10x64x128xf32, #tpu.memory_space<vmem>> -> memref<1x64x128xf32, #tpu.memory_space<vmem>>
    %dma_wait3A_454 = tpu.memref_squeeze %dma_wait3A_453 : memref<1x64x128xf32, #tpu.memory_space<vmem>> -> memref<64x128xf32, #tpu.memory_space<vmem>>
    tpu.wait_dma2 semaphore(%arg19 : memref<!tpu.dma_semaphore, #tpu.memory_space<semaphore_mem>>) src(%dma_wait3A_454 : memref<64x128xf32, #tpu.memory_space<vmem>>) dst(%dma_wait3A_450 : memref<64x128xf32, #tpu.memory_space<hbm>>)
    %dma_wait3A_455 = arith.constant 3 : i32
    %dma_wait3A_456 = arith.constant 0 : i32
    %dma_wait3A_457 = arith.constant 0 : i32
    %dma_wait3A_458 = tpu.memref_slice %arg6[%dma_wait3A_455, %dma_wait3A_456, %dma_wait3A_457] : memref<10x64x128xf32, #tpu.memory_space<vmem>> -> memref<1x64x128xf32, #tpu.memory_space<vmem>>
    %dma_wait3A_459 = tpu.memref_squeeze %dma_wait3A_458 : memref<1x64x128xf32, #tpu.memory_space<vmem>> -> memref<64x128xf32, #tpu.memory_space<vmem>>
    %dma_wait3A_460 = arith.constant 0 : i32
    %dma_wait3A_461 = tpu.memref_slice %arg4[%mul3A_2, %dma_wait3A_460] : memref<204800x128xf32, #tpu.memory_space<hbm>> -> memref<64x128xf32, #tpu.memory_space<hbm>>
    %dma_wait3A_462 = arith.constant 0 : i32
    %dma_wait3A_463 = tpu.memref_slice %arg4[%mul3A_2, %dma_wait3A_462] : memref<204800x128xf32, #tpu.memory_space<hbm>> -> memref<64x128xf32, #tpu.memory_space<hbm>>
    %dma_wait3A_464 = arith.constant 0 : i32
    %dma_wait3A_465 = arith.constant 0 : i32
    %dma_wait3A_466 = tpu.memref_slice %arg6[%dma_wait3A_455, %dma_wait3A_464, %dma_wait3A_465] : memref<10x64x128xf32, #tpu.memory_space<vmem>> -> memref<1x64x128xf32, #tpu.memory_space<vmem>>
    %dma_wait3A_467 = tpu.memref_squeeze %dma_wait3A_466 : memref<1x64x128xf32, #tpu.memory_space<vmem>> -> memref<64x128xf32, #tpu.memory_space<vmem>>
    tpu.wait_dma2 semaphore(%arg20 : memref<!tpu.dma_semaphore, #tpu.memory_space<semaphore_mem>>) src(%dma_wait3A_467 : memref<64x128xf32, #tpu.memory_space<vmem>>) dst(%dma_wait3A_463 : memref<64x128xf32, #tpu.memory_space<hbm>>)
    %dma_wait3A_468 = arith.constant 4 : i32
    %dma_wait3A_469 = arith.constant 0 : i32
    %dma_wait3A_470 = arith.constant 0 : i32
    %dma_wait3A_471 = tpu.memref_slice %arg6[%dma_wait3A_468, %dma_wait3A_469, %dma_wait3A_470] : memref<10x64x128xf32, #tpu.memory_space<vmem>> -> memref<1x64x128xf32, #tpu.memory_space<vmem>>
    %dma_wait3A_472 = tpu.memref_squeeze %dma_wait3A_471 : memref<1x64x128xf32, #tpu.memory_space<vmem>> -> memref<64x128xf32, #tpu.memory_space<vmem>>
    %dma_wait3A_473 = arith.constant 0 : i32
    %dma_wait3A_474 = tpu.memref_slice %arg4[%mul3A_2, %dma_wait3A_473] : memref<204800x128xf32, #tpu.memory_space<hbm>> -> memref<64x128xf32, #tpu.memory_space<hbm>>
    %dma_wait3A_475 = arith.constant 0 : i32
    %dma_wait3A_476 = tpu.memref_slice %arg4[%mul3A_2, %dma_wait3A_475] : memref<204800x128xf32, #tpu.memory_space<hbm>> -> memref<64x128xf32, #tpu.memory_space<hbm>>
    %dma_wait3A_477 = arith.constant 0 : i32
    %dma_wait3A_478 = arith.constant 0 : i32
    %dma_wait3A_479 = tpu.memref_slice %arg6[%dma_wait3A_468, %dma_wait3A_477, %dma_wait3A_478] : memref<10x64x128xf32, #tpu.memory_space<vmem>> -> memref<1x64x128xf32, #tpu.memory_space<vmem>>
    %dma_wait3A_480 = tpu.memref_squeeze %dma_wait3A_479 : memref<1x64x128xf32, #tpu.memory_space<vmem>> -> memref<64x128xf32, #tpu.memory_space<vmem>>
    tpu.wait_dma2 semaphore(%arg21 : memref<!tpu.dma_semaphore, #tpu.memory_space<semaphore_mem>>) src(%dma_wait3A_480 : memref<64x128xf32, #tpu.memory_space<vmem>>) dst(%dma_wait3A_476 : memref<64x128xf32, #tpu.memory_space<hbm>>)
    %dma_wait3A_481 = arith.constant 5 : i32
    %dma_wait3A_482 = arith.constant 0 : i32
    %dma_wait3A_483 = arith.constant 0 : i32
    %dma_wait3A_484 = tpu.memref_slice %arg6[%dma_wait3A_481, %dma_wait3A_482, %dma_wait3A_483] : memref<10x64x128xf32, #tpu.memory_space<vmem>> -> memref<1x64x128xf32, #tpu.memory_space<vmem>>
    %dma_wait3A_485 = tpu.memref_squeeze %dma_wait3A_484 : memref<1x64x128xf32, #tpu.memory_space<vmem>> -> memref<64x128xf32, #tpu.memory_space<vmem>>
    %dma_wait3A_486 = arith.constant 0 : i32
    %dma_wait3A_487 = tpu.memref_slice %arg4[%mul3A_2, %dma_wait3A_486] : memref<204800x128xf32, #tpu.memory_space<hbm>> -> memref<64x128xf32, #tpu.memory_space<hbm>>
    %dma_wait3A_488 = arith.constant 0 : i32
    %dma_wait3A_489 = tpu.memref_slice %arg4[%mul3A_2, %dma_wait3A_488] : memref<204800x128xf32, #tpu.memory_space<hbm>> -> memref<64x128xf32, #tpu.memory_space<hbm>>
    %dma_wait3A_490 = arith.constant 0 : i32
    %dma_wait3A_491 = arith.constant 0 : i32
    %dma_wait3A_492 = tpu.memref_slice %arg6[%dma_wait3A_481, %dma_wait3A_490, %dma_wait3A_491] : memref<10x64x128xf32, #tpu.memory_space<vmem>> -> memref<1x64x128xf32, #tpu.memory_space<vmem>>
    %dma_wait3A_493 = tpu.memref_squeeze %dma_wait3A_492 : memref<1x64x128xf32, #tpu.memory_space<vmem>> -> memref<64x128xf32, #tpu.memory_space<vmem>>
    tpu.wait_dma2 semaphore(%arg22 : memref<!tpu.dma_semaphore, #tpu.memory_space<semaphore_mem>>) src(%dma_wait3A_493 : memref<64x128xf32, #tpu.memory_space<vmem>>) dst(%dma_wait3A_489 : memref<64x128xf32, #tpu.memory_space<hbm>>)
    %dma_wait3A_494 = arith.constant 6 : i32
    %dma_wait3A_495 = arith.constant 0 : i32
    %dma_wait3A_496 = arith.constant 0 : i32
    %dma_wait3A_497 = tpu.memref_slice %arg6[%dma_wait3A_494, %dma_wait3A_495, %dma_wait3A_496] : memref<10x64x128xf32, #tpu.memory_space<vmem>> -> memref<1x64x128xf32, #tpu.memory_space<vmem>>
    %dma_wait3A_498 = tpu.memref_squeeze %dma_wait3A_497 : memref<1x64x128xf32, #tpu.memory_space<vmem>> -> memref<64x128xf32, #tpu.memory_space<vmem>>
    %dma_wait3A_499 = arith.constant 0 : i32
    %dma_wait3A_500 = tpu.memref_slice %arg4[%mul3A_2, %dma_wait3A_499] : memref<204800x128xf32, #tpu.memory_space<hbm>> -> memref<64x128xf32, #tpu.memory_space<hbm>>
    %dma_wait3A_501 = arith.constant 0 : i32
    %dma_wait3A_502 = tpu.memref_slice %arg4[%mul3A_2, %dma_wait3A_501] : memref<204800x128xf32, #tpu.memory_space<hbm>> -> memref<64x128xf32, #tpu.memory_space<hbm>>
    %dma_wait3A_503 = arith.constant 0 : i32
    %dma_wait3A_504 = arith.constant 0 : i32
    %dma_wait3A_505 = tpu.memref_slice %arg6[%dma_wait3A_494, %dma_wait3A_503, %dma_wait3A_504] : memref<10x64x128xf32, #tpu.memory_space<vmem>> -> memref<1x64x128xf32, #tpu.memory_space<vmem>>
    %dma_wait3A_506 = tpu.memref_squeeze %dma_wait3A_505 : memref<1x64x128xf32, #tpu.memory_space<vmem>> -> memref<64x128xf32, #tpu.memory_space<vmem>>
    tpu.wait_dma2 semaphore(%arg23 : memref<!tpu.dma_semaphore, #tpu.memory_space<semaphore_mem>>) src(%dma_wait3A_506 : memref<64x128xf32, #tpu.memory_space<vmem>>) dst(%dma_wait3A_502 : memref<64x128xf32, #tpu.memory_space<hbm>>)
    %dma_wait3A_507 = arith.constant 7 : i32
    %dma_wait3A_508 = arith.constant 0 : i32
    %dma_wait3A_509 = arith.constant 0 : i32
    %dma_wait3A_510 = tpu.memref_slice %arg6[%dma_wait3A_507, %dma_wait3A_508, %dma_wait3A_509] : memref<10x64x128xf32, #tpu.memory_space<vmem>> -> memref<1x64x128xf32, #tpu.memory_space<vmem>>
    %dma_wait3A_511 = tpu.memref_squeeze %dma_wait3A_510 : memref<1x64x128xf32, #tpu.memory_space<vmem>> -> memref<64x128xf32, #tpu.memory_space<vmem>>
    %dma_wait3A_512 = arith.constant 0 : i32
    %dma_wait3A_513 = tpu.memref_slice %arg4[%mul3A_2, %dma_wait3A_512] : memref<204800x128xf32, #tpu.memory_space<hbm>> -> memref<64x128xf32, #tpu.memory_space<hbm>>
    %dma_wait3A_514 = arith.constant 0 : i32
    %dma_wait3A_515 = tpu.memref_slice %arg4[%mul3A_2, %dma_wait3A_514] : memref<204800x128xf32, #tpu.memory_space<hbm>> -> memref<64x128xf32, #tpu.memory_space<hbm>>
    %dma_wait3A_516 = arith.constant 0 : i32
    %dma_wait3A_517 = arith.constant 0 : i32
    %dma_wait3A_518 = tpu.memref_slice %arg6[%dma_wait3A_507, %dma_wait3A_516, %dma_wait3A_517] : memref<10x64x128xf32, #tpu.memory_space<vmem>> -> memref<1x64x128xf32, #tpu.memory_space<vmem>>
    %dma_wait3A_519 = tpu.memref_squeeze %dma_wait3A_518 : memref<1x64x128xf32, #tpu.memory_space<vmem>> -> memref<64x128xf32, #tpu.memory_space<vmem>>
    tpu.wait_dma2 semaphore(%arg24 : memref<!tpu.dma_semaphore, #tpu.memory_space<semaphore_mem>>) src(%dma_wait3A_519 : memref<64x128xf32, #tpu.memory_space<vmem>>) dst(%dma_wait3A_515 : memref<64x128xf32, #tpu.memory_space<hbm>>)
    %dma_wait3A_520 = arith.constant 8 : i32
    %dma_wait3A_521 = arith.constant 0 : i32
    %dma_wait3A_522 = arith.constant 0 : i32
    %dma_wait3A_523 = tpu.memref_slice %arg6[%dma_wait3A_520, %dma_wait3A_521, %dma_wait3A_522] : memref<10x64x128xf32, #tpu.memory_space<vmem>> -> memref<1x64x128xf32, #tpu.memory_space<vmem>>
    %dma_wait3A_524 = tpu.memref_squeeze %dma_wait3A_523 : memref<1x64x128xf32, #tpu.memory_space<vmem>> -> memref<64x128xf32, #tpu.memory_space<vmem>>
    %dma_wait3A_525 = arith.constant 0 : i32
    %dma_wait3A_526 = tpu.memref_slice %arg4[%mul3A_2, %dma_wait3A_525] : memref<204800x128xf32, #tpu.memory_space<hbm>> -> memref<64x128xf32, #tpu.memory_space<hbm>>
    %dma_wait3A_527 = arith.constant 0 : i32
    %dma_wait3A_528 = tpu.memref_slice %arg4[%mul3A_2, %dma_wait3A_527] : memref<204800x128xf32, #tpu.memory_space<hbm>> -> memref<64x128xf32, #tpu.memory_space<hbm>>
    %dma_wait3A_529 = arith.constant 0 : i32
    %dma_wait3A_530 = arith.constant 0 : i32
    %dma_wait3A_531 = tpu.memref_slice %arg6[%dma_wait3A_520, %dma_wait3A_529, %dma_wait3A_530] : memref<10x64x128xf32, #tpu.memory_space<vmem>> -> memref<1x64x128xf32, #tpu.memory_space<vmem>>
    %dma_wait3A_532 = tpu.memref_squeeze %dma_wait3A_531 : memref<1x64x128xf32, #tpu.memory_space<vmem>> -> memref<64x128xf32, #tpu.memory_space<vmem>>
    tpu.wait_dma2 semaphore(%arg25 : memref<!tpu.dma_semaphore, #tpu.memory_space<semaphore_mem>>) src(%dma_wait3A_532 : memref<64x128xf32, #tpu.memory_space<vmem>>) dst(%dma_wait3A_528 : memref<64x128xf32, #tpu.memory_space<hbm>>)
    %dma_wait3A_533 = arith.constant 9 : i32
    %dma_wait3A_534 = arith.constant 0 : i32
    %dma_wait3A_535 = arith.constant 0 : i32
    %dma_wait3A_536 = tpu.memref_slice %arg6[%dma_wait3A_533, %dma_wait3A_534, %dma_wait3A_535] : memref<10x64x128xf32, #tpu.memory_space<vmem>> -> memref<1x64x128xf32, #tpu.memory_space<vmem>>
    %dma_wait3A_537 = tpu.memref_squeeze %dma_wait3A_536 : memref<1x64x128xf32, #tpu.memory_space<vmem>> -> memref<64x128xf32, #tpu.memory_space<vmem>>
    %dma_wait3A_538 = arith.constant 0 : i32
    %dma_wait3A_539 = tpu.memref_slice %arg4[%mul3A_2, %dma_wait3A_538] : memref<204800x128xf32, #tpu.memory_space<hbm>> -> memref<64x128xf32, #tpu.memory_space<hbm>>
    %dma_wait3A_540 = arith.constant 0 : i32
    %dma_wait3A_541 = tpu.memref_slice %arg4[%mul3A_2, %dma_wait3A_540] : memref<204800x128xf32, #tpu.memory_space<hbm>> -> memref<64x128xf32, #tpu.memory_space<hbm>>
    %dma_wait3A_542 = arith.constant 0 : i32
    %dma_wait3A_543 = arith.constant 0 : i32
    %dma_wait3A_544 = tpu.memref_slice %arg6[%dma_wait3A_533, %dma_wait3A_542, %dma_wait3A_543] : memref<10x64x128xf32, #tpu.memory_space<vmem>> -> memref<1x64x128xf32, #tpu.memory_space<vmem>>
    %dma_wait3A_545 = tpu.memref_squeeze %dma_wait3A_544 : memref<1x64x128xf32, #tpu.memory_space<vmem>> -> memref<64x128xf32, #tpu.memory_space<vmem>>
    tpu.wait_dma2 semaphore(%arg26 : memref<!tpu.dma_semaphore, #tpu.memory_space<semaphore_mem>>) src(%dma_wait3A_545 : memref<64x128xf32, #tpu.memory_space<vmem>>) dst(%dma_wait3A_541 : memref<64x128xf32, #tpu.memory_space<hbm>>)
    return
  }
}

</mosaic_0001>

<sc_bundles>
// kernel: kernel.3.cloned.1.call-start
scs
__scs_entry_jumppad:
0x0: {  	(pc) =	sbr.rel $0x88, $3  }
0x1: {  	(tag) =	ssettag $0x0;
	lr =	simm.s32 $0x1  }
0x2: {  	[smem:$0x3F9F] =	sst lr;
	_ =	strace $0xD0000000  }
0x3: {  	_ = 	snop  }
0x4: {  	_ = 	snop  }
0x5: {  	_ = 	snop  }
0x6: {  	_ = 	snop  }
0x7: {  	_ = 	snop  }
__scs_overlays_trampoline_lowered:
0x8: {  	[smem:$0x3FAE] =	sst s0  }
0x9: {  	[smem:$0x3FAF] =	sst s1  }
0xa: {  	[smem:$0x3FB0] =	sst s2  }
0xb: {  	[smem:$0x3FB1] =	sst s3  }
0xc: {  	[smem:$0x3FB2] =	sst s4  }
0xd: {  	[smem:$0x3FB3] =	sst s5  }
0xe: {  	[smem:$0x3FB4] =	sst s6  }
0xf: {  	[smem:$0x3FB5] =	sst s7  }
0x10: {  	[smem:$0x3FB6] =	sst s8  }
0x11: {  	[smem:$0x3FB7] =	sst s9;
	s0 =	simm.s32 @!p0 $0x0  }
0x12: {  	s1 =	sld [smem:$0x3F9D];
	s0 =	simm.s32 @p0 $0x1  }
0x13: {  	[smem:$0x3FB8] =	sst s0;
	s0 =	simm.s32 @!p1 $0x0  }
0x14: {  	s2 =	sld [smem:$0x3F9C];
	s0 =	simm.s32 @p1 $0x1  }
0x15: {  	[smem:$0x3FB9] =	sst s0;
	s0 =	simm.s32 @!p2 $0x0  }
0x16: {  	s3 =	sld [smem:$0x3FDB];
	s0 =	simm.s32 @p2 $0x1  }
0x17: {  	s4 =	simm.s32 $0x1BF5;
	[smem:$0x3FBB] =	sst s0  }
0x18: {  	s0 =	sld [smem:$0x3F9E];
	_ =	swait.ge [sflag:s4], $0x0  }
0x19: {  	s7 =	sld [smem:$0x3F9F]  }
0x1a: {  	s8 =	sadd.s32 $0xFFFFE003, lr  }
0x1b: {  	s9 =	sadd.s32 $0xFFFFFEF7, lr;
	s5 =	simm.s32 $0xFFFFFFFF;
	p2 =	slt.u32 s8, $0xFFFFF086  }
0x1c: {  	p1 =	slt.u32 s9, $0xF7A;
	s5 =	simm.s32 @!p2 $0x0  }
0x1d: {  	s5 =	simm.s32 @p1 $0x1;
	p0 =	seq.s32 s7, s2  }
0x1e: {  	s7 =	smul.u32 @!p0 $0xF7A, s2;
	p2 =	seq.s32 @!p0 s5, $0x0  }
0x1f: {  	s9 =	smul.u32 $0xF7A, s1;
	s8 =	simm.s32 @!p0 $0x1BF5;
	p2 =	por !p2, p0  }
0x20: {  	[sflag:s8] =	ssyncset.s32 @!p0 $0xFFFFF086;
	s6 =	sadd.s32 @!p0 s3, s7;
	s7 =	simm.s32 @!p0 $0x108  }
0x21: {  	s3 =	sadd.s32 s3, s9;
	s6 =	sadd.s32 @!p0 $0x88, s6;
	s7 =	simm.s32 @p2 $0x1082  }
0x22: {  	[simem:s7], [sflag:s8] =	dma.local @!p0 [hbm:s6], $0xF7A  }
0x23: {  	s9 =	sor.u32 $0xD0000000, s2;
	s6 =	simm.s32 $0x108;
	_ =	swait.ge @!p0 [sflag:s8], $0x0  }
0x24: {  	s3 =	sadd.s32 $0x88, s3;
	s6 =	simm.s32 @!p1 $0x1082;
	[sflag:s4] =	ssyncset.s32 $0xFFFFF086  }
0x25: {  	[simem:s6], [sflag:s4] =	dma.local [hbm:s3], $0xF7A  }
0x26: {  	[smem:$0x3F9F] =	sst s1;
	(tag) =	ssettag s2;
	_ =	strace s9  }
0x27: {  	s1 =	sld [smem:$0x3FAF]  }
0x28: {  	s2 =	sld [smem:$0x3FB0]  }
0x29: {  	s4 =	sld [smem:$0x3FB2]  }
0x2a: {  	p0 =	seq.s32 s5, $0x0;
	s5 =	sld [smem:$0x3FB3]  }
0x2b: {  	s6 =	sld [smem:$0x3FB4]  }
0x2c: {  	s7 =	sld [smem:$0x3FB5]  }
0x2d: {  	s3 =	simm.s32 $0x108;
	s8 =	sld [smem:$0x3FB6]  }
0x2e: {  	s3 =	simm.s32 @!p0 $0x1082;
	s9 =	sld [smem:$0x3FB7]  }
0x2f: {  	lr =	sadd.s32 s0, s3;
	s0 =	sld [smem:$0x3FAE]  }
0x30: {  	s3 =	sld [smem:$0x3FB1]  }
0x31: {  	[smem:$0x3FBA] =	sst s10  }
0x32: {  	s10 =	sld [smem:$0x3FB8];
	_ =	sdelay $0x3  }
0x33: {  	p0 =	seq.s32 s10, $0x1;
	s10 =	sld [smem:$0x3FBA];
	_ =	sdelay $0x3  }
0x34: {  	[smem:$0x3FBA] =	sst s10  }
0x35: {  	s10 =	sld [smem:$0x3FB9];
	_ =	sdelay $0x3  }
0x36: {  	p1 =	seq.s32 s10, $0x1;
	s10 =	sld [smem:$0x3FBA];
	_ =	sdelay $0x3  }
0x37: {  	[smem:$0x3FBA] =	sst s10  }
0x38: {  	s10 =	sld [smem:$0x3FBB]  }
0x39: {  	_ = 	snop;
	(pc) =	sbr.ind lr, $3  }
0x3a: {  	_ = 	snop  }
0x3b: {  	_ = 	snop  }
0x3c: {  	p2 =	seq.s32 s10, $0x1;
	s10 =	sld [smem:$0x3FBA]  }
0x3d: {  	_ =	shalt  }
0x3e: {  	_ =	shalt  }
0x3f: {  	_ =	shalt  }
0x40: {  	_ =	shalt  }
0x41: {  	_ =	shalt  }
0x42: {  	_ =	shalt  }
0x43: {  	_ =	shalt  }
0x44: {  	_ =	shalt  }
0x45: {  	_ =	shalt  }
0x46: {  	_ =	shalt  }
0x47: {  	_ =	shalt  }
0x48: {  	_ =	shalt  }
0x49: {  	_ =	shalt  }
0x4a: {  	_ =	shalt  }
0x4b: {  	_ =	shalt  }
0x4c: {  	_ =	shalt  }
0x4d: {  	_ =	shalt  }
0x4e: {  	_ =	shalt  }
0x4f: {  	_ =	shalt  }
0x50: {  	_ =	shalt  }
0x51: {  	_ =	shalt  }
0x52: {  	_ =	shalt  }
0x53: {  	_ =	shalt  }
0x54: {  	_ =	shalt  }
0x55: {  	_ =	shalt  }
0x56: {  	_ =	shalt  }
0x57: {  	_ =	shalt  }
0x58: {  	_ =	shalt  }
0x59: {  	_ =	shalt  }
0x5a: {  	_ =	shalt  }
0x5b: {  	_ =	shalt  }
0x5c: {  	_ =	shalt  }
0x5d: {  	_ =	shalt  }
0x5e: {  	_ =	shalt  }
0x5f: {  	_ =	shalt  }
0x60: {  	_ =	shalt  }
0x61: {  	_ =	shalt  }
0x62: {  	_ =	shalt  }
0x63: {  	_ =	shalt  }
0x64: {  	_ =	shalt  }
0x65: {  	_ =	shalt  }
0x66: {  	_ =	shalt  }
0x67: {  	_ =	shalt  }
0x68: {  	_ =	shalt  }
0x69: {  	_ =	shalt  }
0x6a: {  	_ =	shalt  }
0x6b: {  	_ =	shalt  }
0x6c: {  	_ =	shalt  }
0x6d: {  	_ =	shalt  }
0x6e: {  	_ =	shalt  }
0x6f: {  	_ =	shalt  }
0x70: {  	_ =	shalt  }
0x71: {  	_ =	shalt  }
0x72: {  	_ =	shalt  }
0x73: {  	_ =	shalt  }
0x74: {  	_ =	shalt  }
0x75: {  	_ =	shalt  }
0x76: {  	_ =	shalt  }
0x77: {  	_ =	shalt  }
0x78: {  	_ =	shalt  }
0x79: {  	_ =	shalt  }
0x7a: {  	_ =	shalt  }
0x7b: {  	_ =	shalt  }
0x7c: {  	_ =	shalt  }
0x7d: {  	_ =	shalt  }
0x7e: {  	_ =	shalt  }
0x7f: {  	_ =	shalt  }
0x80: {  	_ =	shalt  }
0x81: {  	_ =	shalt  }
0x82: {  	_ =	shalt  }
0x83: {  	_ =	shalt  }
0x84: {  	_ =	shalt  }
0x85: {  	_ =	shalt  }
0x86: {  	_ =	shalt  }
0x87: {  	_ =	shalt  }
.Lfunc_end0:
.L_simem_size_0:
called_computation_lowered:
.L_overlay_start_0:
0x88: {  	s2 =	sld [smem:$0x3FD9]  }
0x89: {  	s3 =	sld [smem:$0x3FFE];
	_ =	sdelay $0x1  }
0x8a: {  	s1 =	srdreg.scid  }
0x8b: {  	s0 =	sand.u32 $0x1, s1  }
0x8c: {  	s18 =	sshll.u32 s0, $0xA;
	s2 =	sadd.s32 s3, s2  }
0x8d: {  	s2 =	sadd.s32 s2, s18  }
0x8e: {  	[smem:$0x3FC6] =	sst s2  }
0x8f: {  	_ = 	snop  }
0x90: {  	s2 =	sld [smem:$0x3FC9]  }
0x91: {  	s19 =	sld [smem:$0x3FC8]  }
0x92: {  	s4 =	sld [smem:$0x3FD0];
	(tm) =	ssettm $0x1  }
0x93: {  	s5 =	sld [smem:$0x3FFB];
	_ =	sdelay $0x3  }
0x94: {  	_ =	strace s5  }
0x95: {  	s5 =	sld [smem:$0x3FFC];
	_ =	sdelay $0x3  }
0x96: {  	_ =	strace s5  }
0x97: {  	s5 =	sld [smem:$0x3FFD];
	_ =	sdelay $0x3  }
0x98: {  	_ =	strace s5  }
0x99: {  	_ =	strace $0x8FFFFFFF  }
0x9a: {  	s20 =	sld [smem:$0x3FDB];
	_ =	sdelay $0x1  }
0x9b: {  	s6 =	simm.s32 $_scs_section_size  }
0x9c: {  	s7 =	simm.s32 $_size__tile_overlayer_lowered;
	s8 =	simm.s32 $_tile_overlayer_lowered  }
0x9d: {  	s23 =	simm.s32 $0x1BFF;
	s22 =	sshll.u32 s8, $0x1;
	s5 =	sadd.s32 s6, s20  }
0x9e: {  	s9 =	simm.s32 $0x0;
	s21 =	sshll.u32 s7, $0x1;
	s7 =	sadd.s32 s22, s5  }
0x9f: {  	[timem:s9], [sflag:s23] =	dma.local [hbm:s7], s21  }
0xa0: {  	_ =	swait.ge [sflag:s23], s21  }
0xa1: {  	s6 =	ssub.s32 $0x0, s21;
	[sflag:s23] =	ssyncset.done $0x0  }
0xa2: {  	[sflag:s23] =	ssyncadd.s32 s6;
	_ =	sdelay $0x1  }
0xa3: {  	s24 =	simm.s32 $0x1B8B  }
0xa4: {  	_ =	swait.ge [sflag:s24], $0x1  }
0xa5: {  	[sflag:s24] =	ssyncset.done $0x0  }
0xa6: {  	s25 =	simm.s32 $0x1B8E;
	[sflag:s24] =	ssyncadd.s32 $0xFFFFFFFF  }
0xa7: {  	s26 =	simm.s32 $execute0_lowered;
	[smem:$0x3FD2] =	sst s25  }
0xa8: {  	s6 =	sshll.u32 s26, $0x1;
	_ =	strace $0x80000046;
	[dreg:$0x1] =	wrdreg $0xFFFFFFFF  }
0xa9: {  	s28 =	simm.s32 $_size_execute0_lowered;
	s5 =	sadd.s32 s5, s6;
	[dreg:$0x0] =	wrdreg $0x0  }
0xaa: {  	s6 =	sshll.u32 s28, $0x1;
	[dreg:$0x2] =	wrdreg s5  }
0xab: {  	[dreg:$0x3] =	wrdreg s6  }
0xac: {  	[dreg:$0x4] =	wrdreg $0xC0  }
0xad: {  	_ =	task [dreg:s9], $0x5FFFF  }
0xae: {  	[dreg:$0x1] =	wrdreg $0xFFFFFFFF  }
0xaf: {  	[dreg:$0x0] =	wrdreg $0x60  }
0xb0: {  	[dreg:$0x2] =	wrdreg s2  }
0xb1: {  	[dreg:$0x3] =	wrdreg s19  }
0xb2: {  	[dreg:$0x4] =	wrdreg s4  }
0xb3: {  	[dreg:$0x5] =	wrdreg $0x9  }
0xb4: {  	_ =	task.clear_ibuf [dreg:s9], $0x6FFFF;
	_ =	strace $0x90000046  }
0xb5: {  	s29 =	simm.s32 $0x9;
	_ =	strace $0x80000048  }
0xb6: {  	_ =	swait.ge [sflag:s29], $0x1  }
0xb7: {  	[sflag:s29] =	ssyncadd.s32 $0xFFFFFFFF  }
0xb8: {  	_ =	strace $0x90000048  }
0xb9: {  	_ =	sfence  }
0xba: {  	s30 =	sld [smem:$0x0];
	_ =	sdelay $0x2  }
0xbb: {  	s31 =	sshll.u32 s1, $0xD;
	s1 =	sshrl.u32 s1, $0x2  }
0xbc: {  	s3 =	sand.u32 $0x4000, s31;
	s1 =	sadd.s32 s1, s30  }
0xbd: {  	s0 =	sor.u32 s3, s0;
	s1 =	sshll.u32 s1, $0x11  }
0xbe: {  	s0 =	sor.u32 s1, s0  }
0xbf: {  	s0 =	sadd.s32 $0x8F2B, s0  }
0xc0: {  	[sflag:s0] =	ssyncadd.remote.s32 $0x1  }
0xc1: {  	_ =	sfence.sel $0xFFFF  }
0xc2: {  	[dreg:$0x0] =	wrdreg $0xFFFFFFFF;
	(pc) =	sbr.abs _section_cstart, $3  }
0xc3: {  	[dreg:$0x1] =	wrdreg $0xFFFFFFFF  }
0xc4: {  	_ =	task.clear_ibuf [dreg:s9], $0x2FFFF;
	_ =	strace $0x9FFFFFFF  }
0xc5: {  	(tm) =	ssettm $0x7FFFFFFF  }
tec
execute0_lowered:
.L_overlay_start_1:
0x0: {  	(tag) =	ssettag $0x1  }
0x1: {  	s0 =	rddreg [dreg:$0x0]  }
0x2: {  	s2 =	rddreg [dreg:$0x1]  }
0x3: {  	s8 =	rddreg [dreg:$0x2]  }
0x4: {  	s1 =	srdreg.scid;
	s7 =	stileid.u32;
	s4 =	simm.s32 $0x0  }
0x5: {  	s1 =	sand.u32 $0x1, s1;
	s3 =	sshll.u32 s7, $0x8;
	[smem:$0x7FF] =	sst s4  }
0x6: {  	s14 =	sshll.u32 s7, $0xF;
	s17 =	sshll.u32 s7, $0xC;
	s5 =	sshll.u32 s1, $0x7  }
0x7: {  	_ =	strace $0x80000047;
	s6 =	ssub.s32 $0x2, s1;
	s15 =	sshll.u32 s1, $0xE  }
0x8: {  	s1 =	sshll.u32 s1, $0xB;
	s3 =	sor.u32 s5, s3;
	s29 =	sshrl.u32 s6, $0x1  }
0x9: {  	s19 =	sor.u32 s1, s17;
	s17 =	simm.s32 $0x10;
	s5 =	sshll.u32 s3, $0x4  }
0xa: {  	s9 =	sadd.s32 s0, s3;
	s3 =	ssub.s32 s6, s29;
	[dreg:$0x4] =	wrdreg s19  }
0xb: {  	s28 =	sadd.s32 s5, s8;
	[dreg:$0xa] =	wrdreg s9;
	s30 =	sadd.s32 $0x6000, s9  }
0xc: {  	s5 =	sor.u32 s15, s14;
	s3 =	smax.u32 s3, $0x1;
	[dreg:$0xb] =	wrdreg s30  }
0xd: {  	s14 =	simm.s32 $0xC;
	s31 =	sadd.s32 $0x2D0000, s28;
	[dreg:$0x16] =	wrdreg s3  }
0xe: {  	s15 =	simm.s32 $0xD;
	s8 =	sadd.s32 $0x2D0400, s28;
	[dreg:$0xc] =	wrdreg s31  }
0xf: {  	s9 =	sadd.s32 $0x2E0400, s28;
	s10 =	sadd.s32 $0x2E0000, s28;
	[dreg:$0xd] =	wrdreg s8  }
0x10: {  	s11 =	sadd.s32 $0x2F0000, s28;
	s12 =	sadd.s32 $0x2F0400, s28;
	[dreg:$0xe] =	wrdreg s9  }
0x11: {  	s13 =	sadd.s32 $0x300000, s28;
	s16 =	sadd.s32 $0x310000, s28;
	[dreg:$0xf] =	wrdreg s10  }
0x12: {  	s18 =	sor.u32 $0x200000, s5;
	s0 =	sadd.s32 $0x310400, s28;
	[dreg:$0x10] =	wrdreg s11  }
0x13: {  	s22 =	sor.u32 $0x180000, s5;
	s24 =	sor.u32 $0x100000, s5;
	[dreg:$0x11] =	wrdreg s12  }
0x14: {  	s25 =	sor.u32 $0x80000, s5;
	s30 =	sshrl.u32 s5, $0x3;
	[dreg:$0x12] =	wrdreg s13  }
0x15: {  	s5 =	simm.s32 $0xE;
	s3 =	simm.s32 $0x12;
	[dreg:$0x14] =	wrdreg s16  }
0x16: {  	s8 =	sadd.s32 $0x300400, s28;
	[dreg:$0x15] =	wrdreg s0;
	s20 =	sshrl.u32 s18, $0x3  }
0x17: {  	s23 =	sshrl.u32 s22, $0x3;
	s1 =	sshrl.u32 s24, $0x3;
	s28 =	sshrl.u32 s25, $0x3  }
0x18: {  	s31 =	sor.u32 $0x400, s30;
	s22 =	simm.s32 $0x40;
	s10 =	simm.s32 $0x8  }
0x19: {  	s11 =	simm.s32 $0x9;
	s12 =	simm.s32 $0xA;
	[dreg:$0x13] =	wrdreg s8  }
0x1a: {  	s13 =	simm.s32 $0xB;
	s21 =	sor.u32 $0x400, s20;
	[dreg:$0x9] =	wrdreg s31  }
0x1b: {  	s16 =	simm.s32 $0xF;
	s0 =	sor.u32 $0x400, s23;
	[dreg:$0x5] =	wrdreg s21  }
0x1c: {  	s24 =	simm.s32 $0x14;
	s26 =	sor.u32 $0x400, s1;
	[dreg:$0x6] =	wrdreg s0  }
0x1d: {  	s29 =	sor.u32 $0x400, s28;
	s23 =	simm.s32 $0x13;
	[dreg:$0x7] =	wrdreg s26  }
0x1e: {  	[dreg:$0x8] =	wrdreg s29;
	s21 =	simm.s32 $0x11;
	s0 =	simm.s32 $0x0  }
.LBB2_1:
0x1f: {  	[dreg:$0x17] =	wrdreg s0  }
0x20: {  	s1 =	rddreg [dreg:$0xa];
	s19 =	simm.s32 $0x400;
	s26 =	simm.s32 $0x8000  }
0x21: {  	[tilespmem:s4], [sflag:$0x15] =	stream.strided.gather [hbm4b:s1+s19], $0x1800, s26, s19, $0x38;
	[tilespmem:$0x15C00] =	vst v63  }
0x22: {  	s28 =	simm.s32 $0x1800;
	s30 =	simm.s32 $0x15;
	s26 =	rddreg [dreg:$0xb]  }
0x23: {  	[tilespmem:s28], [sflag:$0x15] =	stream.linear.gather [hbm4b:s26+s4], $0x100, $0x38;
	[tilespmem:$0x15C00] =	vst v63  }
0x24: {  	_ =	swait.ge [sflag:s30], $0x1900  }
0x25: {  	[sflag:s30] =	ssyncset.done $0x0  }
0x26: {  	s25 =	simm.s32 $0x1C00;
	[sflag:s30] =	ssyncadd.s32 $0xFFFFE700  }
0x27: {  	[tilespmem:s25], [sflag:$0x1] =	stream.indirect.gather [hbm4b:s2+s22], $0x80, s4, s22, $0xb8;
	[tilespmem:$0x15C00] =	vst v63  }
0x28: {  	s29 =	simm.s32 $0x3C00  }
0x29: {  	[tilespmem:s29], [sflag:$0x2] =	stream.indirect.gather [hbm4b:s2+s22], $0x80, s22, s22, $0xb8;
	[tilespmem:$0x15C00] =	vst v63  }
0x2a: {  	s31 =	simm.s32 $0x80;
	s18 =	simm.s32 $0x5C00  }
0x2b: {  	[tilespmem:s18], [sflag:$0x3] =	stream.indirect.gather [hbm4b:s2+s22], $0x80, s31, s22, $0xb8;
	[tilespmem:$0x15C00] =	vst v63  }
0x2c: {  	s0 =	simm.s32 $0xC0;
	s20 =	simm.s32 $0x7C00  }
0x2d: {  	[tilespmem:s20], [sflag:$0x4] =	stream.indirect.gather [hbm4b:s2+s22], $0x80, s0, s22, $0xb8;
	[tilespmem:$0x15C00] =	vst v63  }
0x2e: {  	s6 =	simm.s32 $0x100;
	s28 =	simm.s32 $0x9C00  }
0x2f: {  	[tilespmem:s28], [sflag:$0x5] =	stream.indirect.gather [hbm4b:s2+s22], $0x80, s6, s22, $0xb8;
	[tilespmem:$0x15C00] =	vst v63  }
0x30: {  	s7 =	simm.s32 $0x140;
	s0 =	simm.s32 $0xBC00  }
0x31: {  	[tilespmem:s0], [sflag:$0x6] =	stream.indirect.gather [hbm4b:s2+s22], $0x80, s7, s22, $0xb8;
	[tilespmem:$0x15C00] =	vst v63  }
0x32: {  	s8 =	simm.s32 $0x180;
	s6 =	simm.s32 $0xDC00  }
0x33: {  	[tilespmem:s6], [sflag:$0x7] =	stream.indirect.gather [hbm4b:s2+s22], $0x80, s8, s22, $0xb8;
	[tilespmem:$0x15C00] =	vst v63  }
0x34: {  	s9 =	simm.s32 $0x1C0;
	s30 =	simm.s32 $0xFC00  }
0x35: {  	[tilespmem:s30], [sflag:$0x8] =	stream.indirect.gather [hbm4b:s2+s22], $0x80, s9, s22, $0xb8;
	[tilespmem:$0x15C00] =	vst v63  }
0x36: {  	s19 =	simm.s32 $0x200;
	s7 =	simm.s32 $0x11C00  }
0x37: {  	[tilespmem:s7], [sflag:$0x9] =	stream.indirect.gather [hbm4b:s2+s22], $0x80, s19, s22, $0xb8;
	[tilespmem:$0x15C00] =	vst v63  }
0x38: {  	s26 =	simm.s32 $0x240;
	s8 =	simm.s32 $0x13C00;
	s9 =	simm.s32 $0x1  }
0x39: {  	[tilespmem:s8], [sflag:$0xA] =	stream.indirect.gather [hbm4b:s2+s22], $0x80, s26, s22, $0xb8;
	[tilespmem:$0x15C00] =	vst v63  }
0x3a: {  	_ =	swait.ge [sflag:s9], $0x2000  }
0x3b: {  	[sflag:s9] =	ssyncset.done $0x0  }
0x3c: {  	s31 =	rddreg [dreg:$0x4];
	[sflag:s9] =	ssyncadd.s32 $0xFFFFE000  }
0x3d: {  	s19 =	rddreg [dreg:$0x2]  }
0x3e: {  	s26 =	simm.s32 $0x2;
	s1 =	sadd.s32 s19, s31  }
0x3f: {  	[hbm4b:s1+s4] =	stream.linear.scatter [tilespmem:s25], [sflag:$0xB], $0x2000, $0x38;
	[tilespmem:$0x15C00] =	vst v63  }
0x40: {  	_ =	swait.ge [sflag:s26], $0x2000  }
0x41: {  	s31 =	rddreg [dreg:$0x9];
	[sflag:s26] =	ssyncset.done $0x0  }
0x42: {  	[sflag:s26] =	ssyncadd.s32 $0xFFFFE000;
	s26 =	sadd.s32 s19, s31;
	s31 =	simm.s32 $0x3  }
0x43: {  	[hbm4b:s26+s4] =	stream.linear.scatter [tilespmem:s29], [sflag:$0xC], $0x2000, $0x38;
	[tilespmem:$0x15C00] =	vst v63  }
0x44: {  	_ =	swait.ge [sflag:s31], $0x2000  }
0x45: {  	[sflag:s31] =	ssyncset.done $0x0  }
0x46: {  	s9 =	sadd.s32 $0x10000, s1;
	s26 =	simm.s32 $0x4;
	[sflag:s31] =	ssyncadd.s32 $0xFFFFE000  }
0x47: {  	[hbm4b:s9+s4] =	stream.linear.scatter [tilespmem:s18], [sflag:$0xD], $0x2000, $0x38;
	[tilespmem:$0x15C00] =	vst v63  }
0x48: {  	_ =	swait.ge [sflag:s26], $0x2000  }
0x49: {  	s31 =	rddreg [dreg:$0x8];
	[sflag:s26] =	ssyncset.done $0x0  }
0x4a: {  	[sflag:s26] =	ssyncadd.s32 $0xFFFFE000;
	s26 =	sadd.s32 s19, s31;
	s31 =	simm.s32 $0x5  }
0x4b: {  	[hbm4b:s26+s4] =	stream.linear.scatter [tilespmem:s20], [sflag:$0xE], $0x2000, $0x38;
	[tilespmem:$0x15C00] =	vst v63  }
0x4c: {  	_ =	swait.ge [sflag:s31], $0x2000  }
0x4d: {  	[sflag:s31] =	ssyncset.done $0x0  }
0x4e: {  	s9 =	sadd.s32 $0x20000, s1;
	s26 =	simm.s32 $0x6;
	[sflag:s31] =	ssyncadd.s32 $0xFFFFE000  }
0x4f: {  	[hbm4b:s9+s4] =	stream.linear.scatter [tilespmem:s28], [sflag:$0xF], $0x2000, $0x38;
	[tilespmem:$0x15C00] =	vst v63  }
0x50: {  	_ =	swait.ge [sflag:s26], $0x2000  }
0x51: {  	s31 =	rddreg [dreg:$0x7];
	[sflag:s26] =	ssyncset.done $0x0  }
0x52: {  	[sflag:s26] =	ssyncadd.s32 $0xFFFFE000;
	s26 =	sadd.s32 s19, s31  }
0x53: {  	[hbm4b:s26+s4] =	stream.linear.scatter [tilespmem:s0], [sflag:$0x10], $0x2000, $0x38;
	[tilespmem:$0x15C00] =	vst v63  }
0x54: {  	s26 =	simm.s32 $0x7  }
0x55: {  	_ =	swait.ge [sflag:s26], $0x2000  }
0x56: {  	[sflag:s26] =	ssyncset.done $0x0  }
0x57: {  	s31 =	sadd.s32 $0x30000, s1;
	[sflag:s26] =	ssyncadd.s32 $0xFFFFE000  }
0x58: {  	[hbm4b:s31+s4] =	stream.linear.scatter [tilespmem:s6], [sflag:$0x11], $0x2000, $0x38;
	[tilespmem:$0x15C00] =	vst v63  }
0x59: {  	_ =	swait.ge [sflag:s10], $0x2000  }
0x5a: {  	s9 =	rddreg [dreg:$0x6];
	[sflag:s10] =	ssyncset.done $0x0  }
0x5b: {  	[sflag:s10] =	ssyncadd.s32 $0xFFFFE000;
	s26 =	sadd.s32 s19, s9  }
0x5c: {  	[hbm4b:s26+s4] =	stream.linear.scatter [tilespmem:s30], [sflag:$0x12], $0x2000, $0x38;
	[tilespmem:$0x15C00] =	vst v63  }
0x5d: {  	_ =	swait.ge [sflag:s11], $0x2000  }
0x5e: {  	[sflag:s11] =	ssyncset.done $0x0  }
0x5f: {  	s1 =	sadd.s32 $0x40000, s1;
	[sflag:s11] =	ssyncadd.s32 $0xFFFFE000  }
0x60: {  	[hbm4b:s1+s4] =	stream.linear.scatter [tilespmem:s7], [sflag:$0x13], $0x2000, $0x38;
	[tilespmem:$0x15C00] =	vst v63  }
0x61: {  	_ =	swait.ge [sflag:s12], $0x2000  }
0x62: {  	s26 =	rddreg [dreg:$0x5];
	[sflag:s12] =	ssyncset.done $0x0  }
0x63: {  	[sflag:s12] =	ssyncadd.s32 $0xFFFFE000;
	s1 =	sadd.s32 s19, s26  }
0x64: {  	[hbm4b:s1+s4] =	stream.linear.scatter [tilespmem:s8], [sflag:$0x14], $0x2000, $0x38;
	[tilespmem:$0x15C00] =	vst v63  }
0x65: {  	_ =	swait.ge [sflag:s13], $0x2000  }
0x66: {  	[sflag:s13] =	ssyncset.done $0x0  }
0x67: {  	s31 =	simm.s32 $0x280;
	[sflag:s13] =	ssyncadd.s32 $0xFFFFE000  }
0x68: {  	[tilespmem:s25], [sflag:$0x1] =	stream.indirect.gather [hbm4b:s2+s22], $0x80, s31, s22, $0xb8;
	[tilespmem:$0x15C00] =	vst v63  }
0x69: {  	_ =	swait.ge [sflag:s14], $0x2000  }
0x6a: {  	[sflag:s14] =	ssyncset.done $0x0  }
0x6b: {  	s8 =	simm.s32 $0x2C0;
	[sflag:s14] =	ssyncadd.s32 $0xFFFFE000  }
0x6c: {  	[tilespmem:s29], [sflag:$0x2] =	stream.indirect.gather [hbm4b:s2+s22], $0x80, s8, s22, $0xb8;
	[tilespmem:$0x15C00] =	vst v63  }
0x6d: {  	_ =	swait.ge [sflag:s15], $0x2000  }
0x6e: {  	[sflag:s15] =	ssyncset.done $0x0  }
0x6f: {  	s9 =	simm.s32 $0x300;
	[sflag:s15] =	ssyncadd.s32 $0xFFFFE000  }
0x70: {  	[tilespmem:s18], [sflag:$0x3] =	stream.indirect.gather [hbm4b:s2+s22], $0x80, s9, s22, $0xb8;
	[tilespmem:$0x15C00] =	vst v63  }
0x71: {  	_ =	swait.ge [sflag:s5], $0x2000  }
0x72: {  	[sflag:s5] =	ssyncset.done $0x0  }
0x73: {  	s18 =	simm.s32 $0x340;
	[sflag:s5] =	ssyncadd.s32 $0xFFFFE000  }
0x74: {  	[tilespmem:s20], [sflag:$0x4] =	stream.indirect.gather [hbm4b:s2+s22], $0x80, s18, s22, $0xb8;
	[tilespmem:$0x15C00] =	vst v63  }
0x75: {  	_ =	swait.ge [sflag:s16], $0x2000  }
0x76: {  	[sflag:s16] =	ssyncset.done $0x0  }
0x77: {  	s20 =	simm.s32 $0x380;
	[sflag:s16] =	ssyncadd.s32 $0xFFFFE000  }
0x78: {  	[tilespmem:s28], [sflag:$0x5] =	stream.indirect.gather [hbm4b:s2+s22], $0x80, s20, s22, $0xb8;
	[tilespmem:$0x15C00] =	vst v63  }
0x79: {  	_ =	swait.ge [sflag:s17], $0x2000  }
0x7a: {  	[sflag:s17] =	ssyncset.done $0x0  }
0x7b: {  	s25 =	simm.s32 $0x3C0;
	[sflag:s17] =	ssyncadd.s32 $0xFFFFE000  }
0x7c: {  	[tilespmem:s0], [sflag:$0x6] =	stream.indirect.gather [hbm4b:s2+s22], $0x80, s25, s22, $0xb8;
	[tilespmem:$0x15C00] =	vst v63  }
0x7d: {  	_ =	swait.ge [sflag:s21], $0x2000  }
0x7e: {  	[sflag:s21] =	ssyncset.done $0x0  }
0x7f: {  	s26 =	simm.s32 $0x400;
	[sflag:s21] =	ssyncadd.s32 $0xFFFFE000  }
0x80: {  	[tilespmem:s6], [sflag:$0x7] =	stream.indirect.gather [hbm4b:s2+s22], $0x80, s26, s22, $0xb8;
	[tilespmem:$0x15C00] =	vst v63  }
0x81: {  	_ =	swait.ge [sflag:s3], $0x2000  }
0x82: {  	[sflag:s3] =	ssyncset.done $0x0  }
0x83: {  	s28 =	simm.s32 $0x440;
	[sflag:s3] =	ssyncadd.s32 $0xFFFFE000  }
0x84: {  	[tilespmem:s30], [sflag:$0x8] =	stream.indirect.gather [hbm4b:s2+s22], $0x80, s28, s22, $0xb8;
	[tilespmem:$0x15C00] =	vst v63  }
0x85: {  	_ =	swait.ge [sflag:s23], $0x2000  }
0x86: {  	[sflag:s23] =	ssyncset.done $0x0  }
0x87: {  	s31 =	simm.s32 $0x480;
	[sflag:s23] =	ssyncadd.s32 $0xFFFFE000  }
0x88: {  	[tilespmem:s7], [sflag:$0x9] =	stream.indirect.gather [hbm4b:s2+s22], $0x80, s31, s22, $0xb8;
	[tilespmem:$0x15C00] =	vst v63  }
0x89: {  	_ =	swait.ge [sflag:s24], $0x2000  }
0x8a: {  	s1 =	simm.s32 $0x4C0;
	[sflag:s24] =	ssyncset.done $0x0  }
0x8b: {  	s29 =	sadd.s32 $0x50000, s19;
	s26 =	simm.s32 $0xA00;
	[sflag:s24] =	ssyncadd.s32 $0xFFFFE000  }
.LBB2_2:
0x8c: {  	s9 =	simm.s32 $0x13C00;
	s0 =	simm.s32 $0x1  }
0x8d: {  	[tilespmem:s9], [sflag:$0xA] =	stream.indirect.gather [hbm4b:s2+s22], $0x80, s1, s22, $0xb8;
	[tilespmem:$0x15C00] =	vst v63  }
0x8e: {  	_ =	swait.ge [sflag:s0], $0x2000  }
0x8f: {  	s6 =	simm.s32 $0x2;
	s25 =	rddreg [dreg:$0x4];
	[sflag:s0] =	ssyncset.done $0x0  }
0x90: {  	[sflag:s0] =	ssyncadd.s32 $0xFFFFE000;
	s1 =	sadd.s32 s29, s25;
	s25 =	simm.s32 $0x1C00  }
0x91: {  	[hbm4b:s1+s4] =	stream.linear.scatter [tilespmem:s25], [sflag:$0xB], $0x2000, $0x38;
	[tilespmem:$0x15C00] =	vst v63  }
0x92: {  	_ =	swait.ge [sflag:s6], $0x2000  }
0x93: {  	s30 =	simm.s32 $0x3C00;
	s19 =	rddreg [dreg:$0x9];
	[sflag:s6] =	ssyncset.done $0x0  }
0x94: {  	s7 =	simm.s32 $0x3;
	[sflag:s6] =	ssyncadd.s32 $0xFFFFE000;
	s19 =	sadd.s32 s29, s19  }
0x95: {  	[hbm4b:s19+s4] =	stream.linear.scatter [tilespmem:s30], [sflag:$0xC], $0x2000, $0x38;
	[tilespmem:$0x15C00] =	vst v63  }
0x96: {  	_ =	swait.ge [sflag:s7], $0x2000  }
0x97: {  	s18 =	simm.s32 $0x5C00;
	[sflag:s7] =	ssyncset.done $0x0  }
0x98: {  	s20 =	simm.s32 $0x4;
	s8 =	sadd.s32 $0x10000, s1;
	[sflag:s7] =	ssyncadd.s32 $0xFFFFE000  }
0x99: {  	[hbm4b:s8+s4] =	stream.linear.scatter [tilespmem:s18], [sflag:$0xD], $0x2000, $0x38;
	[tilespmem:$0x15C00] =	vst v63  }
0x9a: {  	_ =	swait.ge [sflag:s20], $0x2000  }
0x9b: {  	s7 =	simm.s32 $0x5;
	s6 =	rddreg [dreg:$0x8];
	[sflag:s20] =	ssyncset.done $0x0  }
0x9c: {  	[sflag:s20] =	ssyncadd.s32 $0xFFFFE000;
	s19 =	sadd.s32 s29, s6;
	s20 =	simm.s32 $0x7C00  }
0x9d: {  	[hbm4b:s19+s4] =	stream.linear.scatter [tilespmem:s20], [sflag:$0xE], $0x2000, $0x38;
	[tilespmem:$0x15C00] =	vst v63  }
0x9e: {  	_ =	swait.ge [sflag:s7], $0x2000  }
0x9f: {  	s28 =	simm.s32 $0x9C00;
	[sflag:s7] =	ssyncset.done $0x0  }
0xa0: {  	s8 =	sadd.s32 $0x20000, s1;
	s19 =	simm.s32 $0x6;
	[sflag:s7] =	ssyncadd.s32 $0xFFFFE000  }
0xa1: {  	[hbm4b:s8+s4] =	stream.linear.scatter [tilespmem:s28], [sflag:$0xF], $0x2000, $0x38;
	[tilespmem:$0x15C00] =	vst v63  }
0xa2: {  	_ =	swait.ge [sflag:s19], $0x2000  }
0xa3: {  	s0 =	simm.s32 $0xBC00;
	s6 =	rddreg [dreg:$0x7];
	[sflag:s19] =	ssyncset.done $0x0  }
0xa4: {  	[sflag:s19] =	ssyncadd.s32 $0xFFFFE000;
	s19 =	sadd.s32 s29, s6;
	s6 =	simm.s32 $0x7  }
0xa5: {  	[hbm4b:s19+s4] =	stream.linear.scatter [tilespmem:s0], [sflag:$0x10], $0x2000, $0x38;
	[tilespmem:$0x15C00] =	vst v63  }
0xa6: {  	_ =	swait.ge [sflag:s6], $0x2000  }
0xa7: {  	[sflag:s6] =	ssyncset.done $0x0  }
0xa8: {  	s7 =	sadd.s32 $0x30000, s1;
	[sflag:s6] =	ssyncadd.s32 $0xFFFFE000;
	s6 =	simm.s32 $0xDC00  }
0xa9: {  	[hbm4b:s7+s4] =	stream.linear.scatter [tilespmem:s6], [sflag:$0x11], $0x2000, $0x38;
	[tilespmem:$0x15C00] =	vst v63  }
0xaa: {  	_ =	swait.ge [sflag:s10], $0x2000  }
0xab: {  	s8 =	rddreg [dreg:$0x6];
	[sflag:s10] =	ssyncset.done $0x0  }
0xac: {  	s7 =	simm.s32 $0xFC00;
	[sflag:s10] =	ssyncadd.s32 $0xFFFFE000;
	s19 =	sadd.s32 s29, s8  }
0xad: {  	[hbm4b:s19+s4] =	stream.linear.scatter [tilespmem:s7], [sflag:$0x12], $0x2000, $0x38;
	[tilespmem:$0x15C00] =	vst v63  }
0xae: {  	_ =	swait.ge [sflag:s11], $0x2000  }
0xaf: {  	[sflag:s11] =	ssyncset.done $0x0  }
0xb0: {  	s1 =	sadd.s32 $0x40000, s1;
	s8 =	simm.s32 $0x11C00;
	[sflag:s11] =	ssyncadd.s32 $0xFFFFE000  }
0xb1: {  	[hbm4b:s1+s4] =	stream.linear.scatter [tilespmem:s8], [sflag:$0x13], $0x2000, $0x38;
	[tilespmem:$0x15C00] =	vst v63  }
0xb2: {  	_ =	swait.ge [sflag:s12], $0x2000  }
0xb3: {  	s19 =	rddreg [dreg:$0x5];
	[sflag:s12] =	ssyncset.done $0x0  }
0xb4: {  	[sflag:s12] =	ssyncadd.s32 $0xFFFFE000;
	s1 =	sadd.s32 s29, s19  }
0xb5: {  	[hbm4b:s1+s4] =	stream.linear.scatter [tilespmem:s9], [sflag:$0x14], $0x2000, $0x38;
	[tilespmem:$0x15C00] =	vst v63  }
0xb6: {  	s31 =	smov.u32 s26;
	_ =	swait.ge [sflag:s13], $0x2000  }
0xb7: {  	s1 =	sshra.s32 s31, $0x2;
	[sflag:s13] =	ssyncset.done $0x0  }
0xb8: {  	s9 =	sadd.s32 $0x280, s1;
	[sflag:s13] =	ssyncadd.s32 $0xFFFFE000  }
0xb9: {  	[tilespmem:s25], [sflag:$0x1] =	stream.indirect.gather [hbm4b:s2+s22], $0x80, s9, s22, $0xb8;
	[tilespmem:$0x15C00] =	vst v63  }
0xba: {  	_ =	swait.ge [sflag:s14], $0x2000  }
0xbb: {  	[sflag:s14] =	ssyncset.done $0x0  }
0xbc: {  	s9 =	sadd.s32 $0x2C0, s1;
	[sflag:s14] =	ssyncadd.s32 $0xFFFFE000  }
0xbd: {  	[tilespmem:s30], [sflag:$0x2] =	stream.indirect.gather [hbm4b:s2+s22], $0x80, s9, s22, $0xb8;
	[tilespmem:$0x15C00] =	vst v63  }
0xbe: {  	_ =	swait.ge [sflag:s15], $0x2000  }
0xbf: {  	[sflag:s15] =	ssyncset.done $0x0  }
0xc0: {  	s9 =	sadd.s32 $0x300, s1;
	[sflag:s15] =	ssyncadd.s32 $0xFFFFE000  }
0xc1: {  	[tilespmem:s18], [sflag:$0x3] =	stream.indirect.gather [hbm4b:s2+s22], $0x80, s9, s22, $0xb8;
	[tilespmem:$0x15C00] =	vst v63  }
0xc2: {  	_ =	swait.ge [sflag:s5], $0x2000  }
0xc3: {  	[sflag:s5] =	ssyncset.done $0x0  }
0xc4: {  	s9 =	sadd.s32 $0x340, s1;
	[sflag:s5] =	ssyncadd.s32 $0xFFFFE000  }
0xc5: {  	[tilespmem:s20], [sflag:$0x4] =	stream.indirect.gather [hbm4b:s2+s22], $0x80, s9, s22, $0xb8;
	[tilespmem:$0x15C00] =	vst v63  }
0xc6: {  	_ =	swait.ge [sflag:s16], $0x2000  }
0xc7: {  	[sflag:s16] =	ssyncset.done $0x0  }
0xc8: {  	s9 =	sadd.s32 $0x380, s1;
	[sflag:s16] =	ssyncadd.s32 $0xFFFFE000  }
0xc9: {  	[tilespmem:s28], [sflag:$0x5] =	stream.indirect.gather [hbm4b:s2+s22], $0x80, s9, s22, $0xb8;
	[tilespmem:$0x15C00] =	vst v63  }
0xca: {  	_ =	swait.ge [sflag:s17], $0x2000  }
0xcb: {  	[sflag:s17] =	ssyncset.done $0x0  }
0xcc: {  	s9 =	sadd.s32 $0x3C0, s1;
	[sflag:s17] =	ssyncadd.s32 $0xFFFFE000  }
0xcd: {  	[tilespmem:s0], [sflag:$0x6] =	stream.indirect.gather [hbm4b:s2+s22], $0x80, s9, s22, $0xb8;
	[tilespmem:$0x15C00] =	vst v63  }
0xce: {  	_ =	swait.ge [sflag:s21], $0x2000  }
0xcf: {  	[sflag:s21] =	ssyncset.done $0x0  }
0xd0: {  	s9 =	sadd.s32 $0x400, s1;
	[sflag:s21] =	ssyncadd.s32 $0xFFFFE000  }
0xd1: {  	[tilespmem:s6], [sflag:$0x7] =	stream.indirect.gather [hbm4b:s2+s22], $0x80, s9, s22, $0xb8;
	[tilespmem:$0x15C00] =	vst v63  }
0xd2: {  	_ =	swait.ge [sflag:s3], $0x2000  }
0xd3: {  	p0 =	sne.s32 s26, $0x5000;
	s26 =	sadd.s32 $0xA00, s26;
	[sflag:s3] =	ssyncset.done $0x0  }
0xd4: {  	s29 =	sadd.s32 $0x50000, s29;
	s9 =	sadd.s32 $0x440, s1;
	[sflag:s3] =	ssyncadd.s32 $0xFFFFE000  }
0xd5: {  	[tilespmem:s7], [sflag:$0x8] =	stream.indirect.gather [hbm4b:s2+s22], $0x80, s9, s22, $0xb8;
	[tilespmem:$0x15C00] =	vst v63  }
0xd6: {  	s31 =	simm.s32 $0x1C00;
	s25 =	simm.s32 $0x3C00;
	_ =	swait.ge [sflag:s23], $0x2000  }
0xd7: {  	s30 =	simm.s32 $0x5C00;
	s18 =	simm.s32 $0x7C00;
	[sflag:s23] =	ssyncset.done $0x0  }
.Ltmp0:
0xd8: {  	s9 =	sadd.s32 $0x480, s1;
	[sflag:s23] =	ssyncadd.s32 $0xFFFFE000;
	(pc) =	sbr.rel @p0 .LBB2_2-.Ltmp0, $4  }
0xd9: {  	[tilespmem:s8], [sflag:$0x9] =	stream.indirect.gather [hbm4b:s2+s22], $0x80, s9, s22, $0xb8;
	[tilespmem:$0x15C00] =	vst v63  }
0xda: {  	s20 =	simm.s32 $0x9C00;
	s28 =	simm.s32 $0xBC00;
	_ =	swait.ge [sflag:s24], $0x2000  }
0xdb: {  	s0 =	simm.s32 $0xDC00;
	s6 =	simm.s32 $0xFC00;
	[sflag:s24] =	ssyncset.done $0x0  }
0xdc: {  	s7 =	simm.s32 $0x11C00;
	s1 =	sadd.s32 $0x4C0, s1;
	[sflag:s24] =	ssyncadd.s32 $0xFFFFE000  }
0xdd: {  	s8 =	simm.s32 $0x13C00;
	s26 =	simm.s32 $0x1  }
0xde: {  	[tilespmem:s8], [sflag:$0xA] =	stream.indirect.gather [hbm4b:s2+s22], $0x80, s1, s22, $0xb8;
	[tilespmem:$0x15C00] =	vst v63  }
0xdf: {  	_ =	swait.ge [sflag:s26], $0x2000  }
0xe0: {  	[sflag:s26] =	ssyncset.done $0x0  }
0xe1: {  	s9 =	simm.s32 $0x2;
	s29 =	rddreg [dreg:$0xc];
	[sflag:s26] =	ssyncadd.s32 $0xFFFFE000  }
0xe2: {  	[hbm4b:s29+s4] =	stream.linear.scatter [tilespmem:s31], [sflag:$0xB], $0x2000, $0x38;
	[tilespmem:$0x15C00] =	vst v63  }
0xe3: {  	_ =	swait.ge [sflag:s9], $0x2000  }
0xe4: {  	[sflag:s9] =	ssyncset.done $0x0  }
0xe5: {  	s19 =	rddreg [dreg:$0xd];
	[sflag:s9] =	ssyncadd.s32 $0xFFFFE000  }
0xe6: {  	[hbm4b:s19+s4] =	stream.linear.scatter [tilespmem:s25], [sflag:$0xC], $0x2000, $0x38;
	[tilespmem:$0x15C00] =	vst v63  }
0xe7: {  	s25 =	simm.s32 $0x3  }
0xe8: {  	_ =	swait.ge [sflag:s25], $0x2000  }
0xe9: {  	[sflag:s25] =	ssyncset.done $0x0  }
0xea: {  	s29 =	simm.s32 $0x4;
	s26 =	rddreg [dreg:$0xf];
	[sflag:s25] =	ssyncadd.s32 $0xFFFFE000  }
0xeb: {  	[hbm4b:s26+s4] =	stream.linear.scatter [tilespmem:s30], [sflag:$0xD], $0x2000, $0x38;
	[tilespmem:$0x15C00] =	vst v63  }
0xec: {  	_ =	swait.ge [sflag:s29], $0x2000  }
0xed: {  	[sflag:s29] =	ssyncset.done $0x0  }
0xee: {  	s31 =	simm.s32 $0x5;
	s30 =	rddreg [dreg:$0xe];
	[sflag:s29] =	ssyncadd.s32 $0xFFFFE000  }
0xef: {  	[hbm4b:s30+s4] =	stream.linear.scatter [tilespmem:s18], [sflag:$0xE], $0x2000, $0x38;
	[tilespmem:$0x15C00] =	vst v63  }
0xf0: {  	_ =	swait.ge [sflag:s31], $0x2000  }
0xf1: {  	[sflag:s31] =	ssyncset.done $0x0  }
0xf2: {  	s18 =	simm.s32 $0x6;
	s9 =	rddreg [dreg:$0x10];
	[sflag:s31] =	ssyncadd.s32 $0xFFFFE000  }
0xf3: {  	[hbm4b:s9+s4] =	stream.linear.scatter [tilespmem:s20], [sflag:$0xF], $0x2000, $0x38;
	[tilespmem:$0x15C00] =	vst v63  }
0xf4: {  	_ =	swait.ge [sflag:s18], $0x2000  }
0xf5: {  	[sflag:s18] =	ssyncset.done $0x0  }
0xf6: {  	s20 =	simm.s32 $0x7;
	s19 =	rddreg [dreg:$0x11];
	[sflag:s18] =	ssyncadd.s32 $0xFFFFE000  }
0xf7: {  	[hbm4b:s19+s4] =	stream.linear.scatter [tilespmem:s28], [sflag:$0x10], $0x2000, $0x38;
	[tilespmem:$0x15C00] =	vst v63  }
0xf8: {  	_ =	swait.ge [sflag:s20], $0x2000  }
0xf9: {  	[sflag:s20] =	ssyncset.done $0x0  }
0xfa: {  	s25 =	rddreg [dreg:$0x12];
	[sflag:s20] =	ssyncadd.s32 $0xFFFFE000  }
0xfb: {  	[hbm4b:s25+s4] =	stream.linear.scatter [tilespmem:s0], [sflag:$0x11], $0x2000, $0x38;
	[tilespmem:$0x15C00] =	vst v63  }
0xfc: {  	_ =	swait.ge [sflag:s10], $0x2000  }
0xfd: {  	[sflag:s10] =	ssyncset.done $0x0  }
0xfe: {  	s26 =	rddreg [dreg:$0x13];
	[sflag:s10] =	ssyncadd.s32 $0xFFFFE000  }
0xff: {  	[hbm4b:s26+s4] =	stream.linear.scatter [tilespmem:s6], [sflag:$0x12], $0x2000, $0x38;
	[tilespmem:$0x15C00] =	vst v63  }
0x100: {  	_ =	swait.ge [sflag:s11], $0x2000  }
0x101: {  	[sflag:s11] =	ssyncset.done $0x0  }
0x102: {  	s28 =	rddreg [dreg:$0x14];
	[sflag:s11] =	ssyncadd.s32 $0xFFFFE000  }
0x103: {  	[hbm4b:s28+s4] =	stream.linear.scatter [tilespmem:s7], [sflag:$0x13], $0x2000, $0x38;
	[tilespmem:$0x15C00] =	vst v63  }
0x104: {  	_ =	swait.ge [sflag:s12], $0x2000  }
0x105: {  	[sflag:s12] =	ssyncset.done $0x0  }
0x106: {  	s29 =	rddreg [dreg:$0x15];
	[sflag:s12] =	ssyncadd.s32 $0xFFFFE000  }
0x107: {  	[hbm4b:s29+s4] =	stream.linear.scatter [tilespmem:s8], [sflag:$0x14], $0x2000, $0x38;
	[tilespmem:$0x15C00] =	vst v63  }
0x108: {  	_ =	swait.ge [sflag:s13], $0x2000  }
0x109: {  	[sflag:s13] =	ssyncset.done $0x0  }
0x10a: {  	[sflag:s13] =	ssyncadd.s32 $0xFFFFE000  }
0x10b: {  	_ =	swait.ge [sflag:s14], $0x2000  }
0x10c: {  	[sflag:s14] =	ssyncset.done $0x0  }
0x10d: {  	[sflag:s14] =	ssyncadd.s32 $0xFFFFE000  }
0x10e: {  	_ =	swait.ge [sflag:s15], $0x2000  }
0x10f: {  	[sflag:s15] =	ssyncset.done $0x0  }
0x110: {  	[sflag:s15] =	ssyncadd.s32 $0xFFFFE000  }
0x111: {  	_ =	swait.ge [sflag:s5], $0x2000  }
0x112: {  	[sflag:s5] =	ssyncset.done $0x0  }
0x113: {  	[sflag:s5] =	ssyncadd.s32 $0xFFFFE000  }
0x114: {  	_ =	swait.ge [sflag:s16], $0x2000  }
0x115: {  	[sflag:s16] =	ssyncset.done $0x0  }
0x116: {  	[sflag:s16] =	ssyncadd.s32 $0xFFFFE000  }
0x117: {  	_ =	swait.ge [sflag:s17], $0x2000  }
0x118: {  	[sflag:s17] =	ssyncset.done $0x0  }
0x119: {  	[sflag:s17] =	ssyncadd.s32 $0xFFFFE000  }
0x11a: {  	_ =	swait.ge [sflag:s21], $0x2000  }
0x11b: {  	[sflag:s21] =	ssyncset.done $0x0  }
0x11c: {  	[sflag:s21] =	ssyncadd.s32 $0xFFFFE000  }
0x11d: {  	_ =	swait.ge [sflag:s3], $0x2000  }
0x11e: {  	[sflag:s3] =	ssyncset.done $0x0  }
0x11f: {  	[sflag:s3] =	ssyncadd.s32 $0xFFFFE000  }
0x120: {  	_ =	swait.ge [sflag:s23], $0x2000  }
0x121: {  	[sflag:s23] =	ssyncset.done $0x0  }
0x122: {  	[sflag:s23] =	ssyncadd.s32 $0xFFFFE000  }
0x123: {  	_ =	swait.ge [sflag:s24], $0x2000  }
0x124: {  	s30 =	rddreg [dreg:$0x17]  }
0x125: {  	s31 =	rddreg [dreg:$0x16];
	s0 =	sadd.s32 $0x1, s30  }
0x126: {  	p0 =	sne.s32 s0, s31  }
.Ltmp1:
0x127: {  	_ = 	snop;
	(pc) =	sbr.rel @p0 .LBB2_1-.Ltmp1, $3  }
0x128: {  	_ =	sdelay $0x1  }
0x129: {  	[sflag:s24] =	ssyncset.done $0x0  }
0x12a: {  	[sflag:s24] =	ssyncadd.s32 $0xFFFFE000  }
0x12b: {  	_ =	sfence.sel $0x180000  }
0x12c: {  	[bflag:$0x0] =	sbarrier.arrive $0xFFFF  }
0x12d: {  	_ =	strace $0x90000047  }
0x12e: {  	s0 =	stileid.u32;
	[bflag:$0x2] =	sbarrier.arrive $0xFFFF  }
0x12f: {  	p0 =	sne.s32 s0, $0x0;
	s0 =	rddreg [dreg:$0x3]  }
0x130: {  	s0 =	sadd.s32 @!p0 $0x100000, s0  }
0x131: {  	[sflag:s0] =	ssyncadd.tile.s32 @!p0 $0x1;
	_ =	shalt  }
.Lfunc_end2:
_tile_overlayer_lowered:
.L_overlay_start_2:
0x132: {  	(tag) =	ssettag $0x2  }
0x133: {  	s0 =	rddreg [dreg:$0x0];
	s2 =	stileid.u32  }
0x134: {  	s1 =	rddreg [dreg:$0x1];
	p0 =	sne.s32 s2, $0x0  }
0x135: {  	s3 =	rddreg [dreg:$0x2];
	[bflag:$0x3] =	sbarrier.arrive $0xFFFF;
	s2 =	simm.s32 @!p0 $0x1C15  }
0x136: {  	[timem:s3], [sflag:s2] =	dma.local @!p0 [hbm:s0], s1  }
0x137: {  	s0 =	simm.s32 @!p0 $0x15  }
0x138: {  	_ =	swait.ge @!p0 [sflag:s0], s1  }
0x139: {  	s1 =	ssub.s32 @!p0 $0x0, s1;
	[sflag:s0] =	ssyncset.done @!p0 $0x0  }
0x13a: {  	[sflag:s0] =	ssyncadd.s32 @!p0 s1  }
0x13b: {  	[bflag:$0x3] =	sbarrier.arrive $0xFFFF  }
0x13c: {  	_ =	shalt  }

</sc_bundles>
